<compile_context>
chip_gen: v7x
topology: tpu7x:2x2x1
jax: 0.10.2.dev20260603
libtpu: 0.0.44.dev20260713+nightly
codegen_flags: <defaults>
</compile_context>

<pallas_src>
import functools

import jax
import jax.numpy as jnp
from jax import lax
from jax.experimental import pallas as pl
from jax.experimental.pallas import tpu as pltpu
from jax.experimental.pallas import tpu_sc as plsc

N = 10000
E = 320000
D = 128
NC = 2
NS = 16
NW = NC * NS
EPW = E // NW
CH = 125
NCHUNK = EPW // CH
RPT = 640
NP = NS * RPT
HW = 16

_mesh = plsc.VectorSubcoreMesh(
    core_axis_name="c", subcore_axis_name="s", num_cores=NC, num_subcores=NS)


def _degrees_body(src_hbm, dst_hbm, ones_hbm, zeros_hbm,
                  od_hbm, id_hbm,
                  od_sh, id_sh, idx_s, idx_d, ones_v, sem):
    c = lax.axis_index("c")
    s = lax.axis_index("s")
    wid = c * NS + s
    pltpu.sync_copy(zeros_hbm, od_sh.at[pl.ds(s * RPT, RPT)])
    pltpu.sync_copy(zeros_hbm, id_sh.at[pl.ds(s * RPT, RPT)])
    pltpu.sync_copy(ones_hbm, ones_v)
    pltpu.sync_copy(src_hbm.at[wid], idx_s)
    pltpu.sync_copy(dst_hbm.at[wid], idx_d)
    plsc.subcore_barrier()

    def chunk(j, carry):
        pltpu.sync_copy(ones_v, od_sh.at[idx_s.at[j]], add=True)
        pltpu.sync_copy(ones_v, id_sh.at[idx_d.at[j]], add=True)
        return carry

    lax.fori_loop(0, NCHUNK, chunk, 0)
    plsc.subcore_barrier()
    pltpu.sync_copy(od_sh.at[pl.ds(s * RPT, RPT)],
                    od_hbm.at[pl.ds(c * NP + s * RPT, RPT)])
    pltpu.sync_copy(id_sh.at[pl.ds(s * RPT, RPT)],
                    id_hbm.at[pl.ds(c * NP + s * RPT, RPT)])


_degrees = pl.kernel(
    _degrees_body,
    out_type=(jax.ShapeDtypeStruct((NC * NP,), jnp.float32),
              jax.ShapeDtypeStruct((NC * NP,), jnp.float32)),
    mesh=_mesh,
    scratch_types=[
        pltpu.VMEM_SHARED((NP,), jnp.float32),
        pltpu.VMEM_SHARED((NP,), jnp.float32),
        pltpu.VMEM((NCHUNK, CH), jnp.int32),
        pltpu.VMEM((NCHUNK, CH), jnp.int32),
        pltpu.VMEM((CH,), jnp.float32),
        pltpu.SemaphoreType.DMA,
    ],
)


def _scale_body(uf_ref, od_ref, out_ref):
    deg = od_ref[pl.ds(0, N)] + od_ref[pl.ds(NP, N)]
    norm = lax.rsqrt(jnp.maximum(deg, 1.0))
    out_ref[...] = uf_ref[...] * norm[:, None]


_scale = pl.pallas_call(
    _scale_body,
    out_shape=jax.ShapeDtypeStruct((N, D), jnp.float32),
)


def _push_body(nf_hbm, src_hbm, dst_hbm, zeros_hbm,
               part_hbm,
               acc, idx_s, idx_d, rows, sem):
    c = lax.axis_index("c")
    s = lax.axis_index("s")
    wid = c * NS + s
    pltpu.sync_copy(zeros_hbm, acc.at[pl.ds(s * RPT, RPT)])
    pltpu.sync_copy(src_hbm.at[wid], idx_s)
    pltpu.sync_copy(dst_hbm.at[wid], idx_d)
    plsc.subcore_barrier()

    def chunk(j, carry):
        pltpu.async_copy(nf_hbm.at[idx_s.at[j]], rows, sem).wait()
        pltpu.sync_copy(rows, acc.at[idx_d.at[j]], add=True)
        return carry

    lax.fori_loop(0, NCHUNK, chunk, 0)
    plsc.subcore_barrier()
    pltpu.sync_copy(acc.at[pl.ds(s * RPT, RPT)],
                    part_hbm.at[c, pl.ds(s * RPT, RPT)])


_push = pl.kernel(
    _push_body,
    out_type=jax.ShapeDtypeStruct((NC, NP, D), jnp.float32),
    mesh=_mesh,
    scratch_types=[
        pltpu.VMEM_SHARED((NP, D), jnp.float32),
        pltpu.VMEM((NCHUNK, CH), jnp.int32),
        pltpu.VMEM((NCHUNK, CH), jnp.int32),
        pltpu.VMEM((CH, D), jnp.float32),
        pltpu.SemaphoreType.DMA,
    ],
)


def _combine_body(p_ref, id_ref, out_ref):
    deg = id_ref[pl.ds(0, N)] + id_ref[pl.ds(NP, N)]
    norm = lax.rsqrt(jnp.maximum(deg, 1.0))
    out_ref[...] = (p_ref[0, :N, :] + p_ref[1, :N, :]) * norm[:, None]


_combine = pl.pallas_call(
    _combine_body,
    out_shape=jax.ShapeDtypeStruct((N, D), jnp.float32),
)


@jax.jit
def kernel(u_f, edge_index):
    ei = edge_index.astype(jnp.int32)
    src3 = ei[0].reshape(NW, NCHUNK, CH)
    dst3 = ei[1].reshape(NW, NCHUNK, CH)
    ones_h = jnp.ones((CH,), jnp.float32)
    zeros_h = jnp.zeros((RPT,), jnp.float32)
    zeros_d = jnp.zeros((RPT, D), jnp.float32)
    od_p, id_p = _degrees(src3, dst3, ones_h, zeros_h)
    node_f = _scale(u_f, od_p)
    parts = _push(node_f, src3, dst3, zeros_d)
    return _combine(parts, id_p)

# --- scband reference (transcript-rebuilt; emitter-appended) ---
"""Pipeline reference for scband-uugcnlayer-7997229105212 (READ-ONLY COPY).

The authoritative reference and input builder live on the scoring server;
editing this copy changes nothing except your own understanding.
"""

import jax, jax.numpy as jnp
import numpy as np

N_NODES = 10000
N_EDGES = 320000
D_FEAT = 128

def setup_inputs(seed: int = 0) -> dict:
    key = jax.random.key(seed)
    k1, k2 = jax.random.split(key)
    u_f = jax.random.normal(k1, (N_NODES, D_FEAT), dtype=jnp.float32)
    edge_index = jax.random.randint(k2, (2, N_EDGES), 0, N_NODES, dtype=jnp.int64) if jax.config.jax_enable_x64 else jax.random.randint(k2, (2, N_EDGES), 0, N_NODES, dtype=jnp.int32)
    return {"u_f": u_f, "edge_index": edge_index}

def reference(u_f, edge_index):
    # UUGCNLayer forward with weight=False, bias=False, activation=None.
    # DGL semantics: edge (src, dst); copy_u sends src feature to dst, summed over in-edges.
    src = edge_index[0]
    dst = edge_index[1]
    ones = jnp.ones((src.shape[0],), dtype=jnp.float32)
    # out_degrees: count of edges where node is src
    out_deg = jax.ops.segment_sum(ones, src, num_segments=N_NODES)
    out_deg = jnp.clip(out_deg, 1.0, None)
    norm_src = jnp.power(out_deg, -0.5)[:, None]
    node_f = u_f * norm_src
    # message passing: gather src features, scatter-add to dst
    msg = jnp.take(node_f, src, axis=0)
    rst = jax.ops.segment_sum(msg, dst, num_segments=N_NODES)
    # in_degrees: count of edges where node is dst
    in_deg = jax.ops.segment_sum(ones, dst, num_segments=N_NODES)
    in_deg = jnp.clip(in_deg, 1.0, None)
    norm_dst = jnp.power(in_deg, -0.5)[:, None]
    rst = rst * norm_dst
    return rst

if __name__ == "__main__":
    import jax
    _d = setup_inputs()
    print(jax.jit(kernel)(*tuple(_d.values())))

</pallas_src>

<mosaic_0001>
#map = affine_map<(d0, d1) -> (0, 0, 0)>
#map1 = affine_map<(d0, d1) -> (0)>
module attributes {stable_mosaic.version = 14 : i64} {
  func.func @_degrees_body(%arg0: i32, %arg1: i32, %arg2: memref<32x80x125xi32, #tpu.memory_space<hbm>>, %arg3: memref<32x80x125xi32, #tpu.memory_space<hbm>>, %arg4: memref<125xf32, #tpu.memory_space<hbm>>, %arg5: memref<640xf32, #tpu.memory_space<hbm>>, %arg6: memref<20480xf32, #tpu.memory_space<hbm>>, %arg7: memref<20480xf32, #tpu.memory_space<hbm>>, %arg8: memref<10240xf32, #tpu.memory_space<vmem_shared>>, %arg9: memref<10240xf32, #tpu.memory_space<vmem_shared>>, %arg10: memref<80x125xi32, #tpu.memory_space<vmem>>, %arg11: memref<80x125xi32, #tpu.memory_space<vmem>>, %arg12: memref<125xf32, #tpu.memory_space<vmem>>, %arg13: memref<!tpu.dma_semaphore, #tpu.memory_space<semaphore_mem>>) attributes {dimension_semantics = [#tpu.dimension_semantics<core_parallel>, #tpu.dimension_semantics<subcore_parallel>], iteration_bounds = array<i64: 2, 16>, scalar_prefetch = 0 : i64, scratch_operands = 6 : i64, tpu.core_type = #tpu.core_type<sc_vector_subcore>, window_params = [{transform_indices = #map}, {transform_indices = #map}, {transform_indices = #map1}, {transform_indices = #map1}, {transform_indices = #map1}, {transform_indices = #map1}]} {
    %mul3A = arith.constant 16 : i32
    %mul3A_0 = arith.muli %arg0, %mul3A : i32
    %add3A = arith.addi %mul3A_0, %arg1 : i32
    %mul3A_1 = arith.constant 640 : i32
    %mul3A_2 = arith.muli %arg1, %mul3A_1 : i32
    "tpu.region"() ({
      %run_scoped3A = tpu.sem_alloc : memref<!tpu.dma_semaphore, #tpu.memory_space<semaphore_mem>>
      %dma_start3A = tpu.memref_slice %arg8[%mul3A_2] : memref<10240xf32, #tpu.memory_space<vmem_shared>> -> memref<640xf32, #tpu.memory_space<vmem_shared>>
      tpu.enqueue_dma source(%arg5 : memref<640xf32, #tpu.memory_space<hbm>>) target(%dma_start3A : memref<640xf32, #tpu.memory_space<vmem_shared>>) target_semaphore(%run_scoped3A : memref<!tpu.dma_semaphore, #tpu.memory_space<semaphore_mem>>)
      %dma_wait3A = tpu.memref_slice %arg8[%mul3A_2] : memref<10240xf32, #tpu.memory_space<vmem_shared>> -> memref<640xf32, #tpu.memory_space<vmem_shared>>
      tpu.wait_dma2 semaphore(%run_scoped3A : memref<!tpu.dma_semaphore, #tpu.memory_space<semaphore_mem>>) src(%arg5 : memref<640xf32, #tpu.memory_space<hbm>>) dst(%dma_wait3A : memref<640xf32, #tpu.memory_space<vmem_shared>>)
      tpu.yield
    }) : () -> ()
    %mul3A_3 = arith.constant 640 : i32
    %mul3A_4 = arith.muli %arg1, %mul3A_3 : i32
    "tpu.region"() ({
      %run_scoped3A = tpu.sem_alloc : memref<!tpu.dma_semaphore, #tpu.memory_space<semaphore_mem>>
      %dma_start3A = tpu.memref_slice %arg9[%mul3A_4] : memref<10240xf32, #tpu.memory_space<vmem_shared>> -> memref<640xf32, #tpu.memory_space<vmem_shared>>
      tpu.enqueue_dma source(%arg5 : memref<640xf32, #tpu.memory_space<hbm>>) target(%dma_start3A : memref<640xf32, #tpu.memory_space<vmem_shared>>) target_semaphore(%run_scoped3A : memref<!tpu.dma_semaphore, #tpu.memory_space<semaphore_mem>>)
      %dma_wait3A = tpu.memref_slice %arg9[%mul3A_4] : memref<10240xf32, #tpu.memory_space<vmem_shared>> -> memref<640xf32, #tpu.memory_space<vmem_shared>>
      tpu.wait_dma2 semaphore(%run_scoped3A : memref<!tpu.dma_semaphore, #tpu.memory_space<semaphore_mem>>) src(%arg5 : memref<640xf32, #tpu.memory_space<hbm>>) dst(%dma_wait3A : memref<640xf32, #tpu.memory_space<vmem_shared>>)
      tpu.yield
    }) : () -> ()
    "tpu.region"() ({
      %run_scoped3A = tpu.sem_alloc : memref<!tpu.dma_semaphore, #tpu.memory_space<semaphore_mem>>
      tpu.enqueue_dma source(%arg4 : memref<125xf32, #tpu.memory_space<hbm>>) target(%arg12 : memref<125xf32, #tpu.memory_space<vmem>>) target_semaphore(%run_scoped3A : memref<!tpu.dma_semaphore, #tpu.memory_space<semaphore_mem>>)
      tpu.wait_dma2 semaphore(%run_scoped3A : memref<!tpu.dma_semaphore, #tpu.memory_space<semaphore_mem>>) src(%arg4 : memref<125xf32, #tpu.memory_space<hbm>>) dst(%arg12 : memref<125xf32, #tpu.memory_space<vmem>>)
      tpu.yield
    }) : () -> ()
    "tpu.region"() ({
      %run_scoped3A = tpu.sem_alloc : memref<!tpu.dma_semaphore, #tpu.memory_space<semaphore_mem>>
      %dma_start3A = arith.constant 0 : i32
      %dma_start3A_25 = arith.constant 0 : i32
      %dma_start3A_26 = tpu.memref_slice %arg2[%add3A, %dma_start3A, %dma_start3A_25] : memref<32x80x125xi32, #tpu.memory_space<hbm>> -> memref<1x80x125xi32, #tpu.memory_space<hbm>>
      %dma_start3A_27 = tpu.memref_squeeze %dma_start3A_26 : memref<1x80x125xi32, #tpu.memory_space<hbm>> -> memref<80x125xi32, #tpu.memory_space<hbm>>
      %dma_start3A_28 = arith.constant 0 : i32
      %dma_start3A_29 = arith.constant 0 : i32
      %dma_start3A_30 = tpu.memref_slice %arg2[%add3A, %dma_start3A_28, %dma_start3A_29] : memref<32x80x125xi32, #tpu.memory_space<hbm>> -> memref<1x80x125xi32, #tpu.memory_space<hbm>>
      %dma_start3A_31 = tpu.memref_squeeze %dma_start3A_30 : memref<1x80x125xi32, #tpu.memory_space<hbm>> -> memref<80x125xi32, #tpu.memory_space<hbm>>
      tpu.enqueue_dma source(%dma_start3A_31 : memref<80x125xi32, #tpu.memory_space<hbm>>) target(%arg10 : memref<80x125xi32, #tpu.memory_space<vmem>>) target_semaphore(%run_scoped3A : memref<!tpu.dma_semaphore, #tpu.memory_space<semaphore_mem>>)
      %dma_wait3A = arith.constant 0 : i32
      %dma_wait3A_32 = arith.constant 0 : i32
      %dma_wait3A_33 = tpu.memref_slice %arg2[%add3A, %dma_wait3A, %dma_wait3A_32] : memref<32x80x125xi32, #tpu.memory_space<hbm>> -> memref<1x80x125xi32, #tpu.memory_space<hbm>>
      %dma_wait3A_34 = tpu.memref_squeeze %dma_wait3A_33 : memref<1x80x125xi32, #tpu.memory_space<hbm>> -> memref<80x125xi32, #tpu.memory_space<hbm>>
      %dma_wait3A_35 = arith.constant 0 : i32
      %dma_wait3A_36 = arith.constant 0 : i32
      %dma_wait3A_37 = tpu.memref_slice %arg2[%add3A, %dma_wait3A_35, %dma_wait3A_36] : memref<32x80x125xi32, #tpu.memory_space<hbm>> -> memref<1x80x125xi32, #tpu.memory_space<hbm>>
      %dma_wait3A_38 = tpu.memref_squeeze %dma_wait3A_37 : memref<1x80x125xi32, #tpu.memory_space<hbm>> -> memref<80x125xi32, #tpu.memory_space<hbm>>
      tpu.wait_dma2 semaphore(%run_scoped3A : memref<!tpu.dma_semaphore, #tpu.memory_space<semaphore_mem>>) src(%dma_wait3A_38 : memref<80x125xi32, #tpu.memory_space<hbm>>) dst(%arg10 : memref<80x125xi32, #tpu.memory_space<vmem>>)
      tpu.yield
    }) : () -> ()
    "tpu.region"() ({
      %run_scoped3A = tpu.sem_alloc : memref<!tpu.dma_semaphore, #tpu.memory_space<semaphore_mem>>
      %dma_start3A = arith.constant 0 : i32
      %dma_start3A_25 = arith.constant 0 : i32
      %dma_start3A_26 = tpu.memref_slice %arg3[%add3A, %dma_start3A, %dma_start3A_25] : memref<32x80x125xi32, #tpu.memory_space<hbm>> -> memref<1x80x125xi32, #tpu.memory_space<hbm>>
      %dma_start3A_27 = tpu.memref_squeeze %dma_start3A_26 : memref<1x80x125xi32, #tpu.memory_space<hbm>> -> memref<80x125xi32, #tpu.memory_space<hbm>>
      %dma_start3A_28 = arith.constant 0 : i32
      %dma_start3A_29 = arith.constant 0 : i32
      %dma_start3A_30 = tpu.memref_slice %arg3[%add3A, %dma_start3A_28, %dma_start3A_29] : memref<32x80x125xi32, #tpu.memory_space<hbm>> -> memref<1x80x125xi32, #tpu.memory_space<hbm>>
      %dma_start3A_31 = tpu.memref_squeeze %dma_start3A_30 : memref<1x80x125xi32, #tpu.memory_space<hbm>> -> memref<80x125xi32, #tpu.memory_space<hbm>>
      tpu.enqueue_dma source(%dma_start3A_31 : memref<80x125xi32, #tpu.memory_space<hbm>>) target(%arg11 : memref<80x125xi32, #tpu.memory_space<vmem>>) target_semaphore(%run_scoped3A : memref<!tpu.dma_semaphore, #tpu.memory_space<semaphore_mem>>)
      %dma_wait3A = arith.constant 0 : i32
      %dma_wait3A_32 = arith.constant 0 : i32
      %dma_wait3A_33 = tpu.memref_slice %arg3[%add3A, %dma_wait3A, %dma_wait3A_32] : memref<32x80x125xi32, #tpu.memory_space<hbm>> -> memref<1x80x125xi32, #tpu.memory_space<hbm>>
      %dma_wait3A_34 = tpu.memref_squeeze %dma_wait3A_33 : memref<1x80x125xi32, #tpu.memory_space<hbm>> -> memref<80x125xi32, #tpu.memory_space<hbm>>
      %dma_wait3A_35 = arith.constant 0 : i32
      %dma_wait3A_36 = arith.constant 0 : i32
      %dma_wait3A_37 = tpu.memref_slice %arg3[%add3A, %dma_wait3A_35, %dma_wait3A_36] : memref<32x80x125xi32, #tpu.memory_space<hbm>> -> memref<1x80x125xi32, #tpu.memory_space<hbm>>
      %dma_wait3A_38 = tpu.memref_squeeze %dma_wait3A_37 : memref<1x80x125xi32, #tpu.memory_space<hbm>> -> memref<80x125xi32, #tpu.memory_space<hbm>>
      tpu.wait_dma2 semaphore(%run_scoped3A : memref<!tpu.dma_semaphore, #tpu.memory_space<semaphore_mem>>) src(%dma_wait3A_38 : memref<80x125xi32, #tpu.memory_space<hbm>>) dst(%arg11 : memref<80x125xi32, #tpu.memory_space<vmem>>)
      tpu.yield
    }) : () -> ()
    %barrier3A = arith.constant 0 : index
    tpu.barrier barrier_id(%barrier3A)
    %scan3A = arith.constant 0 : i32
    %scan3A_5 = arith.constant 0 : i32
    %scan3A_6 = arith.constant 80 : i32
    %scan3A_7 = arith.addi %scan3A_5, %scan3A_6 : i32
    %scan3A_8 = arith.constant 1 : i32
    scf.for %scan3A_25 = %scan3A_5 to %scan3A_7 step %scan3A_8  : i32 {
      "tpu.region"() ({
        %run_scoped3A = tpu.sem_alloc : memref<!tpu.dma_semaphore, #tpu.memory_space<semaphore_mem>>
        %dma_start3A = arith.constant 0 : i32
        %dma_start3A_26 = tpu.memref_slice %arg10[%scan3A_25, %dma_start3A] : memref<80x125xi32, #tpu.memory_space<vmem>> -> memref<1x125xi32, #tpu.memory_space<vmem>>
        %dma_start3A_27 = tpu.memref_squeeze %dma_start3A_26 : memref<1x125xi32, #tpu.memory_space<vmem>> -> memref<125xi32, #tpu.memory_space<vmem>>
        %dma_start3A_28 = arith.constant 0 : i32
        %dma_start3A_29 = tpu.memref_slice %arg8[%dma_start3A_28] : memref<10240xf32, #tpu.memory_space<vmem_shared>> -> memref<10240xf32, #tpu.memory_space<vmem_shared>>
        tpu.enqueue_indirect_dma source(%arg12 : memref<125xf32, #tpu.memory_space<vmem>>) target(%dma_start3A_29 : memref<10240xf32, #tpu.memory_space<vmem_shared>>) offsets(%dma_start3A_27 : memref<125xi32, #tpu.memory_space<vmem>>) semaphore(%run_scoped3A : memref<!tpu.dma_semaphore, #tpu.memory_space<semaphore_mem>>) {add = true}
        %dma_wait3A = arith.constant 0 : i32
        %dma_wait3A_30 = tpu.memref_slice %arg10[%scan3A_25, %dma_wait3A] : memref<80x125xi32, #tpu.memory_space<vmem>> -> memref<1x125xi32, #tpu.memory_space<vmem>>
        %dma_wait3A_31 = tpu.memref_squeeze %dma_wait3A_30 : memref<1x125xi32, #tpu.memory_space<vmem>> -> memref<125xi32, #tpu.memory_space<vmem>>
        %dma_wait3A_32 = arith.constant 0 : i32
        %dma_wait3A_33 = tpu.memref_slice %arg8[%dma_wait3A_32] : memref<10240xf32, #tpu.memory_space<vmem_shared>> -> memref<10240xf32, #tpu.memory_space<vmem_shared>>
        tpu.wait_indirect_dma semaphore(%run_scoped3A : memref<!tpu.dma_semaphore, #tpu.memory_space<semaphore_mem>>) src(%arg12 : memref<125xf32, #tpu.memory_space<vmem>>) dst(%dma_wait3A_33 : memref<10240xf32, #tpu.memory_space<vmem_shared>>)
        tpu.yield
      }) : () -> ()
      "tpu.region"() ({
        %run_scoped3A = tpu.sem_alloc : memref<!tpu.dma_semaphore, #tpu.memory_space<semaphore_mem>>
        %dma_start3A = arith.constant 0 : i32
        %dma_start3A_26 = tpu.memref_slice %arg11[%scan3A_25, %dma_start3A] : memref<80x125xi32, #tpu.memory_space<vmem>> -> memref<1x125xi32, #tpu.memory_space<vmem>>
        %dma_start3A_27 = tpu.memref_squeeze %dma_start3A_26 : memref<1x125xi32, #tpu.memory_space<vmem>> -> memref<125xi32, #tpu.memory_space<vmem>>
        %dma_start3A_28 = arith.constant 0 : i32
        %dma_start3A_29 = tpu.memref_slice %arg9[%dma_start3A_28] : memref<10240xf32, #tpu.memory_space<vmem_shared>> -> memref<10240xf32, #tpu.memory_space<vmem_shared>>
        tpu.enqueue_indirect_dma source(%arg12 : memref<125xf32, #tpu.memory_space<vmem>>) target(%dma_start3A_29 : memref<10240xf32, #tpu.memory_space<vmem_shared>>) offsets(%dma_start3A_27 : memref<125xi32, #tpu.memory_space<vmem>>) semaphore(%run_scoped3A : memref<!tpu.dma_semaphore, #tpu.memory_space<semaphore_mem>>) {add = true}
        %dma_wait3A = arith.constant 0 : i32
        %dma_wait3A_30 = tpu.memref_slice %arg11[%scan3A_25, %dma_wait3A] : memref<80x125xi32, #tpu.memory_space<vmem>> -> memref<1x125xi32, #tpu.memory_space<vmem>>
        %dma_wait3A_31 = tpu.memref_squeeze %dma_wait3A_30 : memref<1x125xi32, #tpu.memory_space<vmem>> -> memref<125xi32, #tpu.memory_space<vmem>>
        %dma_wait3A_32 = arith.constant 0 : i32
        %dma_wait3A_33 = tpu.memref_slice %arg9[%dma_wait3A_32] : memref<10240xf32, #tpu.memory_space<vmem_shared>> -> memref<10240xf32, #tpu.memory_space<vmem_shared>>
        tpu.wait_indirect_dma semaphore(%run_scoped3A : memref<!tpu.dma_semaphore, #tpu.memory_space<semaphore_mem>>) src(%arg12 : memref<125xf32, #tpu.memory_space<vmem>>) dst(%dma_wait3A_33 : memref<10240xf32, #tpu.memory_space<vmem_shared>>)
        tpu.yield
      }) : () -> ()
    }
    %scan3A_9 = arith.constant 80 : i32
    %barrier3A_10 = arith.constant 0 : index
    tpu.barrier barrier_id(%barrier3A_10)
    %mul3A_11 = arith.constant 640 : i32
    %mul3A_12 = arith.muli %arg1, %mul3A_11 : i32
    %mul3A_13 = arith.constant 10240 : i32
    %mul3A_14 = arith.muli %arg0, %mul3A_13 : i32
    %mul3A_15 = arith.constant 640 : i32
    %mul3A_16 = arith.muli %arg1, %mul3A_15 : i32
    %add3A_17 = arith.addi %mul3A_14, %mul3A_16 : i32
    "tpu.region"() ({
      %run_scoped3A = tpu.sem_alloc : memref<!tpu.dma_semaphore, #tpu.memory_space<semaphore_mem>>
      %dma_start3A = tpu.memref_slice %arg6[%add3A_17] : memref<20480xf32, #tpu.memory_space<hbm>> -> memref<640xf32, #tpu.memory_space<hbm>>
      %dma_start3A_25 = tpu.memref_slice %arg8[%mul3A_12] : memref<10240xf32, #tpu.memory_space<vmem_shared>> -> memref<640xf32, #tpu.memory_space<vmem_shared>>
      tpu.enqueue_dma source(%dma_start3A_25 : memref<640xf32, #tpu.memory_space<vmem_shared>>) target(%dma_start3A : memref<640xf32, #tpu.memory_space<hbm>>) target_semaphore(%run_scoped3A : memref<!tpu.dma_semaphore, #tpu.memory_space<semaphore_mem>>)
      %dma_wait3A = tpu.memref_slice %arg6[%add3A_17] : memref<20480xf32, #tpu.memory_space<hbm>> -> memref<640xf32, #tpu.memory_space<hbm>>
      %dma_wait3A_26 = tpu.memref_slice %arg8[%mul3A_12] : memref<10240xf32, #tpu.memory_space<vmem_shared>> -> memref<640xf32, #tpu.memory_space<vmem_shared>>
      tpu.wait_dma2 semaphore(%run_scoped3A : memref<!tpu.dma_semaphore, #tpu.memory_space<semaphore_mem>>) src(%dma_wait3A_26 : memref<640xf32, #tpu.memory_space<vmem_shared>>) dst(%dma_wait3A : memref<640xf32, #tpu.memory_space<hbm>>)
      tpu.yield
    }) : () -> ()
    %mul3A_18 = arith.constant 640 : i32
    %mul3A_19 = arith.muli %arg1, %mul3A_18 : i32
    %mul3A_20 = arith.constant 10240 : i32
    %mul3A_21 = arith.muli %arg0, %mul3A_20 : i32
    %mul3A_22 = arith.constant 640 : i32
    %mul3A_23 = arith.muli %arg1, %mul3A_22 : i32
    %add3A_24 = arith.addi %mul3A_21, %mul3A_23 : i32
    "tpu.region"() ({
      %run_scoped3A = tpu.sem_alloc : memref<!tpu.dma_semaphore, #tpu.memory_space<semaphore_mem>>
      %dma_start3A = tpu.memref_slice %arg7[%add3A_24] : memref<20480xf32, #tpu.memory_space<hbm>> -> memref<640xf32, #tpu.memory_space<hbm>>
      %dma_start3A_25 = tpu.memref_slice %arg9[%mul3A_19] : memref<10240xf32, #tpu.memory_space<vmem_shared>> -> memref<640xf32, #tpu.memory_space<vmem_shared>>
      tpu.enqueue_dma source(%dma_start3A_25 : memref<640xf32, #tpu.memory_space<vmem_shared>>) target(%dma_start3A : memref<640xf32, #tpu.memory_space<hbm>>) target_semaphore(%run_scoped3A : memref<!tpu.dma_semaphore, #tpu.memory_space<semaphore_mem>>)
      %dma_wait3A = tpu.memref_slice %arg7[%add3A_24] : memref<20480xf32, #tpu.memory_space<hbm>> -> memref<640xf32, #tpu.memory_space<hbm>>
      %dma_wait3A_26 = tpu.memref_slice %arg9[%mul3A_19] : memref<10240xf32, #tpu.memory_space<vmem_shared>> -> memref<640xf32, #tpu.memory_space<vmem_shared>>
      tpu.wait_dma2 semaphore(%run_scoped3A : memref<!tpu.dma_semaphore, #tpu.memory_space<semaphore_mem>>) src(%dma_wait3A_26 : memref<640xf32, #tpu.memory_space<vmem_shared>>) dst(%dma_wait3A : memref<640xf32, #tpu.memory_space<hbm>>)
      tpu.yield
    }) : () -> ()
    return
  }
}

#map = affine_map<(d0, d1) -> (0, 0)>
#map1 = affine_map<(d0, d1) -> (0, 0, 0)>
module attributes {stable_mosaic.version = 14 : i64} {
  func.func @_push_body(%arg0: i32, %arg1: i32, %arg2: memref<10000x128xf32, #tpu.memory_space<hbm>>, %arg3: memref<32x80x125xi32, #tpu.memory_space<hbm>>, %arg4: memref<32x80x125xi32, #tpu.memory_space<hbm>>, %arg5: memref<640x128xf32, #tpu.memory_space<hbm>>, %arg6: memref<2x10240x128xf32, #tpu.memory_space<hbm>>, %arg7: memref<10240x128xf32, #tpu.memory_space<vmem_shared>>, %arg8: memref<80x125xi32, #tpu.memory_space<vmem>>, %arg9: memref<80x125xi32, #tpu.memory_space<vmem>>, %arg10: memref<125x128xf32, #tpu.memory_space<vmem>>, %arg11: memref<!tpu.dma_semaphore, #tpu.memory_space<semaphore_mem>>) attributes {dimension_semantics = [#tpu.dimension_semantics<core_parallel>, #tpu.dimension_semantics<subcore_parallel>], iteration_bounds = array<i64: 2, 16>, scalar_prefetch = 0 : i64, scratch_operands = 5 : i64, tpu.core_type = #tpu.core_type<sc_vector_subcore>, window_params = [{transform_indices = #map}, {transform_indices = #map1}, {transform_indices = #map1}, {transform_indices = #map}, {transform_indices = #map1}]} {
    %mul3A = arith.constant 16 : i32
    %mul3A_0 = arith.muli %arg0, %mul3A : i32
    %add3A = arith.addi %mul3A_0, %arg1 : i32
    %mul3A_1 = arith.constant 640 : i32
    %mul3A_2 = arith.muli %arg1, %mul3A_1 : i32
    "tpu.region"() ({
      %run_scoped3A = tpu.sem_alloc : memref<!tpu.dma_semaphore, #tpu.memory_space<semaphore_mem>>
      %dma_start3A = arith.constant 0 : i32
      %dma_start3A_13 = tpu.memref_slice %arg7[%mul3A_2, %dma_start3A] : memref<10240x128xf32, #tpu.memory_space<vmem_shared>> -> memref<640x128xf32, #tpu.memory_space<vmem_shared>>
      tpu.enqueue_dma source(%arg5 : memref<640x128xf32, #tpu.memory_space<hbm>>) target(%dma_start3A_13 : memref<640x128xf32, #tpu.memory_space<vmem_shared>>) target_semaphore(%run_scoped3A : memref<!tpu.dma_semaphore, #tpu.memory_space<semaphore_mem>>)
      %dma_wait3A = arith.constant 0 : i32
      %dma_wait3A_14 = tpu.memref_slice %arg7[%mul3A_2, %dma_wait3A] : memref<10240x128xf32, #tpu.memory_space<vmem_shared>> -> memref<640x128xf32, #tpu.memory_space<vmem_shared>>
      tpu.wait_dma2 semaphore(%run_scoped3A : memref<!tpu.dma_semaphore, #tpu.memory_space<semaphore_mem>>) src(%arg5 : memref<640x128xf32, #tpu.memory_space<hbm>>) dst(%dma_wait3A_14 : memref<640x128xf32, #tpu.memory_space<vmem_shared>>)
      tpu.yield
    }) : () -> ()
    "tpu.region"() ({
      %run_scoped3A = tpu.sem_alloc : memref<!tpu.dma_semaphore, #tpu.memory_space<semaphore_mem>>
      %dma_start3A = arith.constant 0 : i32
      %dma_start3A_13 = arith.constant 0 : i32
      %dma_start3A_14 = tpu.memref_slice %arg3[%add3A, %dma_start3A, %dma_start3A_13] : memref<32x80x125xi32, #tpu.memory_space<hbm>> -> memref<1x80x125xi32, #tpu.memory_space<hbm>>
      %dma_start3A_15 = tpu.memref_squeeze %dma_start3A_14 : memref<1x80x125xi32, #tpu.memory_space<hbm>> -> memref<80x125xi32, #tpu.memory_space<hbm>>
      %dma_start3A_16 = arith.constant 0 : i32
      %dma_start3A_17 = arith.constant 0 : i32
      %dma_start3A_18 = tpu.memref_slice %arg3[%add3A, %dma_start3A_16, %dma_start3A_17] : memref<32x80x125xi32, #tpu.memory_space<hbm>> -> memref<1x80x125xi32, #tpu.memory_space<hbm>>
      %dma_start3A_19 = tpu.memref_squeeze %dma_start3A_18 : memref<1x80x125xi32, #tpu.memory_space<hbm>> -> memref<80x125xi32, #tpu.memory_space<hbm>>
      tpu.enqueue_dma source(%dma_start3A_19 : memref<80x125xi32, #tpu.memory_space<hbm>>) target(%arg8 : memref<80x125xi32, #tpu.memory_space<vmem>>) target_semaphore(%run_scoped3A : memref<!tpu.dma_semaphore, #tpu.memory_space<semaphore_mem>>)
      %dma_wait3A = arith.constant 0 : i32
      %dma_wait3A_20 = arith.constant 0 : i32
      %dma_wait3A_21 = tpu.memref_slice %arg3[%add3A, %dma_wait3A, %dma_wait3A_20] : memref<32x80x125xi32, #tpu.memory_space<hbm>> -> memref<1x80x125xi32, #tpu.memory_space<hbm>>
      %dma_wait3A_22 = tpu.memref_squeeze %dma_wait3A_21 : memref<1x80x125xi32, #tpu.memory_space<hbm>> -> memref<80x125xi32, #tpu.memory_space<hbm>>
      %dma_wait3A_23 = arith.constant 0 : i32
      %dma_wait3A_24 = arith.constant 0 : i32
      %dma_wait3A_25 = tpu.memref_slice %arg3[%add3A, %dma_wait3A_23, %dma_wait3A_24] : memref<32x80x125xi32, #tpu.memory_space<hbm>> -> memref<1x80x125xi32, #tpu.memory_space<hbm>>
      %dma_wait3A_26 = tpu.memref_squeeze %dma_wait3A_25 : memref<1x80x125xi32, #tpu.memory_space<hbm>> -> memref<80x125xi32, #tpu.memory_space<hbm>>
      tpu.wait_dma2 semaphore(%run_scoped3A : memref<!tpu.dma_semaphore, #tpu.memory_space<semaphore_mem>>) src(%dma_wait3A_26 : memref<80x125xi32, #tpu.memory_space<hbm>>) dst(%arg8 : memref<80x125xi32, #tpu.memory_space<vmem>>)
      tpu.yield
    }) : () -> ()
    "tpu.region"() ({
      %run_scoped3A = tpu.sem_alloc : memref<!tpu.dma_semaphore, #tpu.memory_space<semaphore_mem>>
      %dma_start3A = arith.constant 0 : i32
      %dma_start3A_13 = arith.constant 0 : i32
      %dma_start3A_14 = tpu.memref_slice %arg4[%add3A, %dma_start3A, %dma_start3A_13] : memref<32x80x125xi32, #tpu.memory_space<hbm>> -> memref<1x80x125xi32, #tpu.memory_space<hbm>>
      %dma_start3A_15 = tpu.memref_squeeze %dma_start3A_14 : memref<1x80x125xi32, #tpu.memory_space<hbm>> -> memref<80x125xi32, #tpu.memory_space<hbm>>
      %dma_start3A_16 = arith.constant 0 : i32
      %dma_start3A_17 = arith.constant 0 : i32
      %dma_start3A_18 = tpu.memref_slice %arg4[%add3A, %dma_start3A_16, %dma_start3A_17] : memref<32x80x125xi32, #tpu.memory_space<hbm>> -> memref<1x80x125xi32, #tpu.memory_space<hbm>>
      %dma_start3A_19 = tpu.memref_squeeze %dma_start3A_18 : memref<1x80x125xi32, #tpu.memory_space<hbm>> -> memref<80x125xi32, #tpu.memory_space<hbm>>
      tpu.enqueue_dma source(%dma_start3A_19 : memref<80x125xi32, #tpu.memory_space<hbm>>) target(%arg9 : memref<80x125xi32, #tpu.memory_space<vmem>>) target_semaphore(%run_scoped3A : memref<!tpu.dma_semaphore, #tpu.memory_space<semaphore_mem>>)
      %dma_wait3A = arith.constant 0 : i32
      %dma_wait3A_20 = arith.constant 0 : i32
      %dma_wait3A_21 = tpu.memref_slice %arg4[%add3A, %dma_wait3A, %dma_wait3A_20] : memref<32x80x125xi32, #tpu.memory_space<hbm>> -> memref<1x80x125xi32, #tpu.memory_space<hbm>>
      %dma_wait3A_22 = tpu.memref_squeeze %dma_wait3A_21 : memref<1x80x125xi32, #tpu.memory_space<hbm>> -> memref<80x125xi32, #tpu.memory_space<hbm>>
      %dma_wait3A_23 = arith.constant 0 : i32
      %dma_wait3A_24 = arith.constant 0 : i32
      %dma_wait3A_25 = tpu.memref_slice %arg4[%add3A, %dma_wait3A_23, %dma_wait3A_24] : memref<32x80x125xi32, #tpu.memory_space<hbm>> -> memref<1x80x125xi32, #tpu.memory_space<hbm>>
      %dma_wait3A_26 = tpu.memref_squeeze %dma_wait3A_25 : memref<1x80x125xi32, #tpu.memory_space<hbm>> -> memref<80x125xi32, #tpu.memory_space<hbm>>
      tpu.wait_dma2 semaphore(%run_scoped3A : memref<!tpu.dma_semaphore, #tpu.memory_space<semaphore_mem>>) src(%dma_wait3A_26 : memref<80x125xi32, #tpu.memory_space<hbm>>) dst(%arg9 : memref<80x125xi32, #tpu.memory_space<vmem>>)
      tpu.yield
    }) : () -> ()
    %barrier3A = arith.constant 0 : index
    tpu.barrier barrier_id(%barrier3A)
    %scan3A = arith.constant 0 : i32
    %scan3A_3 = arith.constant 0 : i32
    %scan3A_4 = arith.constant 80 : i32
    %scan3A_5 = arith.addi %scan3A_3, %scan3A_4 : i32
    %scan3A_6 = arith.constant 1 : i32
    scf.for %scan3A_13 = %scan3A_3 to %scan3A_5 step %scan3A_6  : i32 {
      %dma_start3A = arith.constant 0 : i32
      %dma_start3A_14 = tpu.memref_slice %arg8[%scan3A_13, %dma_start3A] : memref<80x125xi32, #tpu.memory_space<vmem>> -> memref<1x125xi32, #tpu.memory_space<vmem>>
      %dma_start3A_15 = tpu.memref_squeeze %dma_start3A_14 : memref<1x125xi32, #tpu.memory_space<vmem>> -> memref<125xi32, #tpu.memory_space<vmem>>
      %dma_start3A_16 = arith.constant 0 : i32
      %dma_start3A_17 = arith.constant 0 : i32
      %dma_start3A_18 = tpu.memref_slice %arg2[%dma_start3A_16, %dma_start3A_17] : memref<10000x128xf32, #tpu.memory_space<hbm>> -> memref<10000x128xf32, #tpu.memory_space<hbm>>
      tpu.enqueue_indirect_dma source(%dma_start3A_18 : memref<10000x128xf32, #tpu.memory_space<hbm>>) target(%arg10 : memref<125x128xf32, #tpu.memory_space<vmem>>) offsets(%dma_start3A_15 : memref<125xi32, #tpu.memory_space<vmem>>) semaphore(%arg11 : memref<!tpu.dma_semaphore, #tpu.memory_space<semaphore_mem>>)
      %dma_wait3A = arith.constant 0 : i32
      %dma_wait3A_19 = tpu.memref_slice %arg8[%scan3A_13, %dma_wait3A] : memref<80x125xi32, #tpu.memory_space<vmem>> -> memref<1x125xi32, #tpu.memory_space<vmem>>
      %dma_wait3A_20 = tpu.memref_squeeze %dma_wait3A_19 : memref<1x125xi32, #tpu.memory_space<vmem>> -> memref<125xi32, #tpu.memory_space<vmem>>
      %dma_wait3A_21 = arith.constant 0 : i32
      %dma_wait3A_22 = arith.constant 0 : i32
      %dma_wait3A_23 = tpu.memref_slice %arg2[%dma_wait3A_21, %dma_wait3A_22] : memref<10000x128xf32, #tpu.memory_space<hbm>> -> memref<10000x128xf32, #tpu.memory_space<hbm>>
      tpu.wait_indirect_dma semaphore(%arg11 : memref<!tpu.dma_semaphore, #tpu.memory_space<semaphore_mem>>) src(%dma_wait3A_23 : memref<10000x128xf32, #tpu.memory_space<hbm>>) dst(%arg10 : memref<125x128xf32, #tpu.memory_space<vmem>>)
      "tpu.region"() ({
        %run_scoped3A = tpu.sem_alloc : memref<!tpu.dma_semaphore, #tpu.memory_space<semaphore_mem>>
        %dma_start3A_24 = arith.constant 0 : i32
        %dma_start3A_25 = tpu.memref_slice %arg9[%scan3A_13, %dma_start3A_24] : memref<80x125xi32, #tpu.memory_space<vmem>> -> memref<1x125xi32, #tpu.memory_space<vmem>>
        %dma_start3A_26 = tpu.memref_squeeze %dma_start3A_25 : memref<1x125xi32, #tpu.memory_space<vmem>> -> memref<125xi32, #tpu.memory_space<vmem>>
        %dma_start3A_27 = arith.constant 0 : i32
        %dma_start3A_28 = arith.constant 0 : i32
        %dma_start3A_29 = tpu.memref_slice %arg7[%dma_start3A_27, %dma_start3A_28] : memref<10240x128xf32, #tpu.memory_space<vmem_shared>> -> memref<10240x128xf32, #tpu.memory_space<vmem_shared>>
        tpu.enqueue_indirect_dma source(%arg10 : memref<125x128xf32, #tpu.memory_space<vmem>>) target(%dma_start3A_29 : memref<10240x128xf32, #tpu.memory_space<vmem_shared>>) offsets(%dma_start3A_26 : memref<125xi32, #tpu.memory_space<vmem>>) semaphore(%run_scoped3A : memref<!tpu.dma_semaphore, #tpu.memory_space<semaphore_mem>>) {add = true}
        %dma_wait3A_30 = arith.constant 0 : i32
        %dma_wait3A_31 = tpu.memref_slice %arg9[%scan3A_13, %dma_wait3A_30] : memref<80x125xi32, #tpu.memory_space<vmem>> -> memref<1x125xi32, #tpu.memory_space<vmem>>
        %dma_wait3A_32 = tpu.memref_squeeze %dma_wait3A_31 : memref<1x125xi32, #tpu.memory_space<vmem>> -> memref<125xi32, #tpu.memory_space<vmem>>
        %dma_wait3A_33 = arith.constant 0 : i32
        %dma_wait3A_34 = arith.constant 0 : i32
        %dma_wait3A_35 = tpu.memref_slice %arg7[%dma_wait3A_33, %dma_wait3A_34] : memref<10240x128xf32, #tpu.memory_space<vmem_shared>> -> memref<10240x128xf32, #tpu.memory_space<vmem_shared>>
        tpu.wait_indirect_dma semaphore(%run_scoped3A : memref<!tpu.dma_semaphore, #tpu.memory_space<semaphore_mem>>) src(%arg10 : memref<125x128xf32, #tpu.memory_space<vmem>>) dst(%dma_wait3A_35 : memref<10240x128xf32, #tpu.memory_space<vmem_shared>>)
        tpu.yield
      }) : () -> ()
    }
    %scan3A_7 = arith.constant 80 : i32
    %barrier3A_8 = arith.constant 0 : index
    tpu.barrier barrier_id(%barrier3A_8)
    %mul3A_9 = arith.constant 640 : i32
    %mul3A_10 = arith.muli %arg1, %mul3A_9 : i32
    %mul3A_11 = arith.constant 640 : i32
    %mul3A_12 = arith.muli %arg1, %mul3A_11 : i32
    "tpu.region"() ({
      %run_scoped3A = tpu.sem_alloc : memref<!tpu.dma_semaphore, #tpu.memory_space<semaphore_mem>>
      %dma_start3A = arith.constant 0 : i32
      %dma_start3A_13 = tpu.memref_slice %arg6[%arg0, %mul3A_12, %dma_start3A] : memref<2x10240x128xf32, #tpu.memory_space<hbm>> -> memref<1x640x128xf32, #tpu.memory_space<hbm>>
      %dma_start3A_14 = tpu.memref_squeeze %dma_start3A_13 : memref<1x640x128xf32, #tpu.memory_space<hbm>> -> memref<640x128xf32, #tpu.memory_space<hbm>>
      %dma_start3A_15 = arith.constant 0 : i32
      %dma_start3A_16 = tpu.memref_slice %arg7[%mul3A_10, %dma_start3A_15] : memref<10240x128xf32, #tpu.memory_space<vmem_shared>> -> memref<640x128xf32, #tpu.memory_space<vmem_shared>>
      tpu.enqueue_dma source(%dma_start3A_16 : memref<640x128xf32, #tpu.memory_space<vmem_shared>>) target(%dma_start3A_14 : memref<640x128xf32, #tpu.memory_space<hbm>>) target_semaphore(%run_scoped3A : memref<!tpu.dma_semaphore, #tpu.memory_space<semaphore_mem>>)
      %dma_wait3A = arith.constant 0 : i32
      %dma_wait3A_17 = tpu.memref_slice %arg6[%arg0, %mul3A_12, %dma_wait3A] : memref<2x10240x128xf32, #tpu.memory_space<hbm>> -> memref<1x640x128xf32, #tpu.memory_space<hbm>>
      %dma_wait3A_18 = tpu.memref_squeeze %dma_wait3A_17 : memref<1x640x128xf32, #tpu.memory_space<hbm>> -> memref<640x128xf32, #tpu.memory_space<hbm>>
      %dma_wait3A_19 = arith.constant 0 : i32
      %dma_wait3A_20 = tpu.memref_slice %arg7[%mul3A_10, %dma_wait3A_19] : memref<10240x128xf32, #tpu.memory_space<vmem_shared>> -> memref<640x128xf32, #tpu.memory_space<vmem_shared>>
      tpu.wait_dma2 semaphore(%run_scoped3A : memref<!tpu.dma_semaphore, #tpu.memory_space<semaphore_mem>>) src(%dma_wait3A_20 : memref<640x128xf32, #tpu.memory_space<vmem_shared>>) dst(%dma_wait3A_18 : memref<640x128xf32, #tpu.memory_space<hbm>>)
      tpu.yield
    }) : () -> ()
    return
  }
}

module attributes {stable_mosaic.version = 14 : i64} {
  func.func @_scale_body(%arg0: memref<10000x128xf32, #tpu.memory_space<vmem>>, %arg1: memref<20480xf32, #tpu.memory_space<vmem>>, %arg2: memref<10000x128xf32, #tpu.memory_space<vmem>>) attributes {dimension_semantics = [], scalar_prefetch = 0 : i64, scratch_operands = 0 : i64, tpu.core_type = #tpu.core_type<tc>} {
    %get3A = arith.constant 0 : index
    %get3A_0 = vector.load %arg1[%get3A] : memref<20480xf32, #tpu.memory_space<vmem>>, vector<10000xf32>
    %get3A_1 = arith.constant 10240 : index
    %get3A_2 = vector.load %arg1[%get3A_1] : memref<20480xf32, #tpu.memory_space<vmem>>, vector<10000xf32>
    %add3A = arith.addf %get3A_0, %get3A_2 : vector<10000xf32>
    %max3A = arith.constant 1.000000e+00 : f32
    %max3A_3 = vector.broadcast %max3A : f32 to vector<10000xf32>
    %max3A_4 = arith.maximumf %add3A, %max3A_3 : vector<10000xf32>
    %rsqrt3A = math.rsqrt %max3A_4 : vector<10000xf32>
    %get3A_5 = arith.constant 0 : index
    %get3A_6 = arith.constant 0 : index
    %get3A_7 = vector.load %arg0[%get3A_5, %get3A_6] : memref<10000x128xf32, #tpu.memory_space<vmem>>, vector<10000x128xf32>
    %broadcast_in_dim3A = vector.shape_cast %rsqrt3A : vector<10000xf32> to vector<10000x1xf32>
    %mul3A = vector.broadcast %broadcast_in_dim3A : vector<10000x1xf32> to vector<10000x128xf32>
    %mul3A_8 = arith.mulf %get3A_7, %mul3A : vector<10000x128xf32>
    %swap3A = arith.constant 0 : index
    %swap3A_9 = arith.constant 0 : index
    %swap3A_10 = vector.load %arg2[%swap3A, %swap3A_9] : memref<10000x128xf32, #tpu.memory_space<vmem>>, vector<10000x128xf32>
    tpu.vector_store %arg2[%swap3A, %swap3A_9], %mul3A_8 {strides = array<i32>} : memref<10000x128xf32, #tpu.memory_space<vmem>>, vector<10000x128xf32>,
    return
  }
}

module attributes {stable_mosaic.version = 14 : i64} {
  func.func @_combine_body(%arg0: memref<2x10240x128xf32, #tpu.memory_space<vmem>>, %arg1: memref<20480xf32, #tpu.memory_space<vmem>>, %arg2: memref<10000x128xf32, #tpu.memory_space<vmem>>) attributes {dimension_semantics = [], scalar_prefetch = 0 : i64, scratch_operands = 0 : i64, tpu.core_type = #tpu.core_type<tc>} {
    %get3A = arith.constant 0 : index
    %get3A_0 = vector.load %arg1[%get3A] : memref<20480xf32, #tpu.memory_space<vmem>>, vector<10000xf32>
    %get3A_1 = arith.constant 10240 : index
    %get3A_2 = vector.load %arg1[%get3A_1] : memref<20480xf32, #tpu.memory_space<vmem>>, vector<10000xf32>
    %add3A = arith.addf %get3A_0, %get3A_2 : vector<10000xf32>
    %max3A = arith.constant 1.000000e+00 : f32
    %max3A_3 = vector.broadcast %max3A : f32 to vector<10000xf32>
    %max3A_4 = arith.maximumf %add3A, %max3A_3 : vector<10000xf32>
    %rsqrt3A = math.rsqrt %max3A_4 : vector<10000xf32>
    %get3A_5 = arith.constant 0 : index
    %get3A_6 = arith.constant 0 : index
    %get3A_7 = arith.constant 0 : index
    %get3A_8 = vector.load %arg0[%get3A_5, %get3A_6, %get3A_7] : memref<2x10240x128xf32, #tpu.memory_space<vmem>>, vector<1x10000x128xf32>
    %get3A_9 = vector.shape_cast %get3A_8 : vector<1x10000x128xf32> to vector<10000x128xf32>
    %get3A_10 = arith.constant 1 : index
    %get3A_11 = arith.constant 0 : index
    %get3A_12 = arith.constant 0 : index
    %get3A_13 = vector.load %arg0[%get3A_10, %get3A_11, %get3A_12] : memref<2x10240x128xf32, #tpu.memory_space<vmem>>, vector<1x10000x128xf32>
    %get3A_14 = vector.shape_cast %get3A_13 : vector<1x10000x128xf32> to vector<10000x128xf32>
    %add3A_15 = arith.addf %get3A_9, %get3A_14 : vector<10000x128xf32>
    %broadcast_in_dim3A = vector.shape_cast %rsqrt3A : vector<10000xf32> to vector<10000x1xf32>
    %mul3A = vector.broadcast %broadcast_in_dim3A : vector<10000x1xf32> to vector<10000x128xf32>
    %mul3A_16 = arith.mulf %add3A_15, %mul3A : vector<10000x128xf32>
    %swap3A = arith.constant 0 : index
    %swap3A_17 = arith.constant 0 : index
    %swap3A_18 = vector.load %arg2[%swap3A, %swap3A_17] : memref<10000x128xf32, #tpu.memory_space<vmem>>, vector<10000x128xf32>
    tpu.vector_store %arg2[%swap3A, %swap3A_17], %mul3A_16 {strides = array<i32>} : memref<10000x128xf32, #tpu.memory_space<vmem>>, vector<10000x128xf32>,
    return
  }
}

</mosaic_0001>

<sc_bundles>
// kernel: kernel.6.cloned.1.call-start
scs
__scs_entry_jumppad:
0x0: {  	(pc) =	sbr.rel $0x88, $3  }
0x1: {  	(tag) =	ssettag $0x0;
	lr =	simm.s32 $0x1  }
0x2: {  	[smem:$0x3F9F] =	sst lr;
	_ =	strace $0xD0000000  }
0x3: {  	_ = 	snop  }
0x4: {  	_ = 	snop  }
0x5: {  	_ = 	snop  }
0x6: {  	_ = 	snop  }
0x7: {  	_ = 	snop  }
__scs_overlays_trampoline_lowered:
0x8: {  	[smem:$0x3FAE] =	sst s0  }
0x9: {  	[smem:$0x3FAF] =	sst s1  }
0xa: {  	[smem:$0x3FB0] =	sst s2  }
0xb: {  	[smem:$0x3FB1] =	sst s3  }
0xc: {  	[smem:$0x3FB2] =	sst s4  }
0xd: {  	[smem:$0x3FB3] =	sst s5  }
0xe: {  	[smem:$0x3FB4] =	sst s6  }
0xf: {  	[smem:$0x3FB5] =	sst s7  }
0x10: {  	[smem:$0x3FB6] =	sst s8  }
0x11: {  	[smem:$0x3FB7] =	sst s9;
	s0 =	simm.s32 @!p0 $0x0  }
0x12: {  	s1 =	sld [smem:$0x3F9D];
	s0 =	simm.s32 @p0 $0x1  }
0x13: {  	[smem:$0x3FB8] =	sst s0;
	s0 =	simm.s32 @!p1 $0x0  }
0x14: {  	s2 =	sld [smem:$0x3F9C];
	s0 =	simm.s32 @p1 $0x1  }
0x15: {  	[smem:$0x3FB9] =	sst s0;
	s0 =	simm.s32 @!p2 $0x0  }
0x16: {  	s3 =	sld [smem:$0x3FDB];
	s0 =	simm.s32 @p2 $0x1  }
0x17: {  	s4 =	simm.s32 $0x1BF5;
	[smem:$0x3FBB] =	sst s0  }
0x18: {  	s0 =	sld [smem:$0x3F9E];
	_ =	swait.ge [sflag:s4], $0x0  }
0x19: {  	s7 =	sld [smem:$0x3F9F]  }
0x1a: {  	s8 =	sadd.s32 $0xFFFFE003, lr  }
0x1b: {  	s9 =	sadd.s32 $0xFFFFFEF7, lr;
	s5 =	simm.s32 $0xFFFFFFFF;
	p2 =	slt.u32 s8, $0xFFFFF086  }
0x1c: {  	p1 =	slt.u32 s9, $0xF7A;
	s5 =	simm.s32 @!p2 $0x0  }
0x1d: {  	s5 =	simm.s32 @p1 $0x1;
	p0 =	seq.s32 s7, s2  }
0x1e: {  	s7 =	smul.u32 @!p0 $0xF7A, s2;
	p2 =	seq.s32 @!p0 s5, $0x0  }
0x1f: {  	s9 =	smul.u32 $0xF7A, s1;
	s8 =	simm.s32 @!p0 $0x1BF5;
	p2 =	por !p2, p0  }
0x20: {  	[sflag:s8] =	ssyncset.s32 @!p0 $0xFFFFF086;
	s6 =	sadd.s32 @!p0 s3, s7;
	s7 =	simm.s32 @!p0 $0x108  }
0x21: {  	s3 =	sadd.s32 s3, s9;
	s6 =	sadd.s32 @!p0 $0x88, s6;
	s7 =	simm.s32 @p2 $0x1082  }
0x22: {  	[simem:s7], [sflag:s8] =	dma.local @!p0 [hbm:s6], $0xF7A  }
0x23: {  	s9 =	sor.u32 $0xD0000000, s2;
	s6 =	simm.s32 $0x108;
	_ =	swait.ge @!p0 [sflag:s8], $0x0  }
0x24: {  	s3 =	sadd.s32 $0x88, s3;
	s6 =	simm.s32 @!p1 $0x1082;
	[sflag:s4] =	ssyncset.s32 $0xFFFFF086  }
0x25: {  	[simem:s6], [sflag:s4] =	dma.local [hbm:s3], $0xF7A  }
0x26: {  	[smem:$0x3F9F] =	sst s1;
	(tag) =	ssettag s2;
	_ =	strace s9  }
0x27: {  	s1 =	sld [smem:$0x3FAF]  }
0x28: {  	s2 =	sld [smem:$0x3FB0]  }
0x29: {  	s4 =	sld [smem:$0x3FB2]  }
0x2a: {  	p0 =	seq.s32 s5, $0x0;
	s5 =	sld [smem:$0x3FB3]  }
0x2b: {  	s6 =	sld [smem:$0x3FB4]  }
0x2c: {  	s7 =	sld [smem:$0x3FB5]  }
0x2d: {  	s3 =	simm.s32 $0x108;
	s8 =	sld [smem:$0x3FB6]  }
0x2e: {  	s3 =	simm.s32 @!p0 $0x1082;
	s9 =	sld [smem:$0x3FB7]  }
0x2f: {  	lr =	sadd.s32 s0, s3;
	s0 =	sld [smem:$0x3FAE]  }
0x30: {  	s3 =	sld [smem:$0x3FB1]  }
0x31: {  	[smem:$0x3FBA] =	sst s10  }
0x32: {  	s10 =	sld [smem:$0x3FB8];
	_ =	sdelay $0x3  }
0x33: {  	p0 =	seq.s32 s10, $0x1;
	s10 =	sld [smem:$0x3FBA];
	_ =	sdelay $0x3  }
0x34: {  	[smem:$0x3FBA] =	sst s10  }
0x35: {  	s10 =	sld [smem:$0x3FB9];
	_ =	sdelay $0x3  }
0x36: {  	p1 =	seq.s32 s10, $0x1;
	s10 =	sld [smem:$0x3FBA];
	_ =	sdelay $0x3  }
0x37: {  	[smem:$0x3FBA] =	sst s10  }
0x38: {  	s10 =	sld [smem:$0x3FBB]  }
0x39: {  	_ = 	snop;
	(pc) =	sbr.ind lr, $3  }
0x3a: {  	_ = 	snop  }
0x3b: {  	_ = 	snop  }
0x3c: {  	p2 =	seq.s32 s10, $0x1;
	s10 =	sld [smem:$0x3FBA]  }
0x3d: {  	_ =	shalt  }
0x3e: {  	_ =	shalt  }
0x3f: {  	_ =	shalt  }
0x40: {  	_ =	shalt  }
0x41: {  	_ =	shalt  }
0x42: {  	_ =	shalt  }
0x43: {  	_ =	shalt  }
0x44: {  	_ =	shalt  }
0x45: {  	_ =	shalt  }
0x46: {  	_ =	shalt  }
0x47: {  	_ =	shalt  }
0x48: {  	_ =	shalt  }
0x49: {  	_ =	shalt  }
0x4a: {  	_ =	shalt  }
0x4b: {  	_ =	shalt  }
0x4c: {  	_ =	shalt  }
0x4d: {  	_ =	shalt  }
0x4e: {  	_ =	shalt  }
0x4f: {  	_ =	shalt  }
0x50: {  	_ =	shalt  }
0x51: {  	_ =	shalt  }
0x52: {  	_ =	shalt  }
0x53: {  	_ =	shalt  }
0x54: {  	_ =	shalt  }
0x55: {  	_ =	shalt  }
0x56: {  	_ =	shalt  }
0x57: {  	_ =	shalt  }
0x58: {  	_ =	shalt  }
0x59: {  	_ =	shalt  }
0x5a: {  	_ =	shalt  }
0x5b: {  	_ =	shalt  }
0x5c: {  	_ =	shalt  }
0x5d: {  	_ =	shalt  }
0x5e: {  	_ =	shalt  }
0x5f: {  	_ =	shalt  }
0x60: {  	_ =	shalt  }
0x61: {  	_ =	shalt  }
0x62: {  	_ =	shalt  }
0x63: {  	_ =	shalt  }
0x64: {  	_ =	shalt  }
0x65: {  	_ =	shalt  }
0x66: {  	_ =	shalt  }
0x67: {  	_ =	shalt  }
0x68: {  	_ =	shalt  }
0x69: {  	_ =	shalt  }
0x6a: {  	_ =	shalt  }
0x6b: {  	_ =	shalt  }
0x6c: {  	_ =	shalt  }
0x6d: {  	_ =	shalt  }
0x6e: {  	_ =	shalt  }
0x6f: {  	_ =	shalt  }
0x70: {  	_ =	shalt  }
0x71: {  	_ =	shalt  }
0x72: {  	_ =	shalt  }
0x73: {  	_ =	shalt  }
0x74: {  	_ =	shalt  }
0x75: {  	_ =	shalt  }
0x76: {  	_ =	shalt  }
0x77: {  	_ =	shalt  }
0x78: {  	_ =	shalt  }
0x79: {  	_ =	shalt  }
0x7a: {  	_ =	shalt  }
0x7b: {  	_ =	shalt  }
0x7c: {  	_ =	shalt  }
0x7d: {  	_ =	shalt  }
0x7e: {  	_ =	shalt  }
0x7f: {  	_ =	shalt  }
0x80: {  	_ =	shalt  }
0x81: {  	_ =	shalt  }
0x82: {  	_ =	shalt  }
0x83: {  	_ =	shalt  }
0x84: {  	_ =	shalt  }
0x85: {  	_ =	shalt  }
0x86: {  	_ =	shalt  }
0x87: {  	_ =	shalt  }
.Lfunc_end0:
.L_simem_size_0:
called_computation_lowered:
.L_overlay_start_0:
0x88: {  	s2 =	sld [smem:$0x3FD9]  }
0x89: {  	s3 =	sld [smem:$0x3FFE];
	_ =	sdelay $0x1  }
0x8a: {  	s1 =	srdreg.scid  }
0x8b: {  	s0 =	sand.u32 $0x1, s1  }
0x8c: {  	s17 =	sshll.u32 s0, $0xA;
	s2 =	sadd.s32 s3, s2  }
0x8d: {  	s2 =	sadd.s32 s2, s17  }
0x8e: {  	[smem:$0x3FC6] =	sst s2  }
0x8f: {  	_ = 	snop  }
0x90: {  	s2 =	sld [smem:$0x3FD0];
	(tm) =	ssettm $0x1  }
0x91: {  	s18 =	sld [smem:$0x3FFB];
	_ =	sdelay $0x3  }
0x92: {  	_ =	strace s18  }
0x93: {  	s3 =	sld [smem:$0x3FFC];
	_ =	sdelay $0x3  }
0x94: {  	_ =	strace s3  }
0x95: {  	s3 =	sld [smem:$0x3FFD];
	_ =	sdelay $0x3  }
0x96: {  	_ =	strace s3  }
0x97: {  	_ =	strace $0x8FFFFFFF  }
0x98: {  	s19 =	sld [smem:$0x3FDB];
	_ =	sdelay $0x1  }
0x99: {  	s4 =	simm.s32 $_scs_section_size  }
0x9a: {  	s5 =	simm.s32 $_size__tile_overlayer_lowered;
	s6 =	simm.s32 $_tile_overlayer_lowered  }
0x9b: {  	s22 =	simm.s32 $0x1BFF;
	s21 =	sshll.u32 s6, $0x1;
	s3 =	sadd.s32 s4, s19  }
0x9c: {  	s7 =	simm.s32 $0x0;
	s20 =	sshll.u32 s5, $0x1;
	s5 =	sadd.s32 s21, s3  }
0x9d: {  	[timem:s7], [sflag:s22] =	dma.local [hbm:s5], s20  }
0x9e: {  	_ =	swait.ge [sflag:s22], s20  }
0x9f: {  	s4 =	ssub.s32 $0x0, s20;
	[sflag:s22] =	ssyncset.done $0x0  }
0xa0: {  	[sflag:s22] =	ssyncadd.s32 s4;
	_ =	sdelay $0x1  }
0xa1: {  	s23 =	simm.s32 $0x1B8B  }
0xa2: {  	_ =	swait.ge [sflag:s23], $0x1  }
0xa3: {  	[sflag:s23] =	ssyncset.done $0x0  }
0xa4: {  	s25 =	simm.s32 $0x1B8E;
	s24 =	sld [smem:$0x3FFE];
	[sflag:s23] =	ssyncadd.s32 $0xFFFFFFFF  }
0xa5: {  	s26 =	simm.s32 $execute0_lowered;
	[smem:$0x3FD2] =	sst s25  }
0xa6: {  	s5 =	sshll.u32 s26, $0x1;
	_ =	strace $0x80000046;
	[dreg:$0x1] =	wrdreg $0xFFFFFFFF  }
0xa7: {  	s28 =	simm.s32 $_size_execute0_lowered;
	s3 =	sadd.s32 s3, s5;
	[dreg:$0x0] =	wrdreg $0x0  }
0xa8: {  	s5 =	sshll.u32 s28, $0x1;
	[dreg:$0x2] =	wrdreg s3  }
0xa9: {  	[dreg:$0x3] =	wrdreg s5  }
0xaa: {  	[dreg:$0x4] =	wrdreg $0xC0  }
0xab: {  	_ =	task [dreg:s7], $0x5FFFF  }
0xac: {  	[dreg:$0x1] =	wrdreg $0xFFFFFFFF  }
0xad: {  	[dreg:$0x0] =	wrdreg $0x60  }
0xae: {  	[dreg:$0x2] =	wrdreg s24  }
0xaf: {  	[dreg:$0x3] =	wrdreg s2  }
0xb0: {  	[dreg:$0x4] =	wrdreg $0x0  }
0xb1: {  	[dreg:$0x5] =	wrdreg $0x2800  }
0xb2: {  	[dreg:$0x6] =	wrdreg $0x9  }
0xb3: {  	_ =	task.clear_ibuf [dreg:s7], $0x7FFFF;
	_ =	strace $0x90000046  }
0xb4: {  	s29 =	simm.s32 $0x9;
	_ =	strace $0x80000048  }
0xb5: {  	_ =	swait.ge [sflag:s29], $0x1  }
0xb6: {  	[sflag:s29] =	ssyncadd.s32 $0xFFFFFFFF  }
0xb7: {  	_ =	strace $0x90000048  }
0xb8: {  	_ =	sfence  }
0xb9: {  	s30 =	sld [smem:$0x0];
	_ =	sdelay $0x2  }
0xba: {  	s31 =	sshll.u32 s1, $0xD;
	s1 =	sshrl.u32 s1, $0x2  }
0xbb: {  	s3 =	sand.u32 $0x4000, s31;
	s1 =	sadd.s32 s1, s30  }
0xbc: {  	s0 =	sor.u32 s3, s0;
	s1 =	sshll.u32 s1, $0x11  }
0xbd: {  	s0 =	sor.u32 s1, s0  }
0xbe: {  	s0 =	sadd.s32 $0x8F2B, s0  }
0xbf: {  	[sflag:s0] =	ssyncadd.remote.s32 $0x1  }
0xc0: {  	_ =	sfence.sel $0xFFFF  }
0xc1: {  	[dreg:$0x0] =	wrdreg $0xFFFFFFFF;
	(pc) =	sbr.abs _section_cstart, $3  }
0xc2: {  	[dreg:$0x1] =	wrdreg $0xFFFFFFFF  }
0xc3: {  	_ =	task.clear_ibuf [dreg:s7], $0x2FFFF;
	_ =	strace $0x9FFFFFFF  }
0xc4: {  	(tm) =	ssettm $0x7FFFFFFF  }
0xc5: {  	_ =	shalt  }
tec
execute0_lowered:
.L_overlay_start_1:
0x0: {  	(tag) =	ssettag $0x1  }
0x1: {  	s7 =	rddreg [dreg:$0x0]  }
0x2: {  	s10 =	rddreg [dreg:$0x1]  }
0x3: {  	s2 =	rddreg [dreg:$0x2]  }
0x4: {  	s0 =	srdreg.scid;
	s3 =	rddreg [dreg:$0x3];
	s4 =	simm.s32 $0x0  }
0x5: {  	s17 =	simm.s32 $0x500;
	s18 =	simm.s32 $0x2D00;
	s19 =	simm.s32 $0x7D  }
0x6: {  	s20 =	simm.s32 $0x0;
	s6 =	sand.u32 $0x1, s0;
	s0 =	stileid.u32  }
0x7: {  	[smem:$0x7FF] =	sst s4;
	s1 =	sshll.u32 s6, $0x4;
	s8 =	smul.u32 $0x280, s0  }
0x8: {  	s9 =	smul.u32 $0x2800, s6;
	s29 =	ssub.s32 $0x2, s6;
	s6 =	sadd.s32 $0x15600, s7  }
0x9: {  	s31 =	sshll.u32 s0, $0x6;
	s1 =	sor.u32 s0, s1;
	s30 =	sshrl.u32 s29, $0x1  }
0xa: {  	s5 =	smul.u32 $0x500, s1;
	s1 =	rddreg [dreg:$0x4];
	_ =	strace $0x80000047  }
0xb: {  	s9 =	sadd.s32 s8, s9;
	s14 =	ssub.s32 s29, s30;
	s15 =	sadd.s32 s8, s2  }
0xc: {  	s16 =	sadd.s32 s8, s3;
	s12 =	sshrl.u32 s9, $0x3;
	s11 =	sadd.s32 s5, s7  }
0xd: {  	s5 =	sadd.s32 $0x15400, s7;
	s13 =	sadd.s32 s12, s7;
	s7 =	sor.u32 $0x1C01, s31  }
0xe: {  	s10 =	sadd.s32 s10, s12;
	s12 =	smax.u32 s14, $0x1;
	s14 =	simm.s32 $0x1  }
0xf: {  	s8 =	sadd.s32 $0xB400, s11;
	s9 =	sadd.s32 $0x1400, s11;
	s11 =	sadd.s32 $0x15800, s13  }
0x10: {  	s13 =	sshrl.u32 s15, $0x3;
	s15 =	sshrl.u32 s16, $0x3;
	s16 =	simm.s32 $0x5500  }
.LBB2_1:
0x11: {  	[spmem:s13], [sflag:s7] =	dma.local [hbm:s6], $0x50  }
0x12: {  	_ =	swait.ge [sflag:s14], $0x50  }
0x13: {  	[sflag:s14] =	ssyncset.done $0x0  }
0x14: {  	[sflag:s14] =	ssyncadd.s32 $0xFFFFFFB0  }
0x15: {  	[spmem:s15], [sflag:s7] =	dma.local [hbm:s6], $0x50  }
0x16: {  	_ =	swait.ge [sflag:s14], $0x50  }
0x17: {  	[sflag:s14] =	ssyncset.done $0x0  }
0x18: {  	[sflag:s14] =	ssyncadd.s32 $0xFFFFFFB0  }
0x19: {  	[tilespmem:s16], [sflag:$0x1] =	stream.linear.gather [hbm4b:s5+s4], $0x80, $0x38;
	[tilespmem:$0x5580] =	vst v63  }
0x1a: {  	_ =	swait.ge [sflag:s14], $0x80  }
0x1b: {  	[sflag:s14] =	ssyncset.done $0x0  }
0x1c: {  	[sflag:s14] =	ssyncadd.s32 $0xFFFFFF80  }
0x1d: {  	[tilespmem:s17], [sflag:$0x1] =	stream.linear.gather [hbm4b:s8+s4], $0x2800, $0x38;
	[tilespmem:$0x5580] =	vst v63  }
0x1e: {  	_ =	swait.ge [sflag:s14], $0x2800  }
0x1f: {  	[sflag:s14] =	ssyncset.done $0x0  }
0x20: {  	[sflag:s14] =	ssyncadd.s32 $0xFFFFD800  }
0x21: {  	[tilespmem:s18], [sflag:$0x1] =	stream.linear.gather [hbm4b:s9+s4], $0x2800, $0x38;
	[tilespmem:$0x5580] =	vst v63  }
0x22: {  	_ =	swait.ge [sflag:s14], $0x2800  }
0x23: {  	[sflag:s14] =	ssyncset.done $0x0  }
0x24: {  	[sflag:s14] =	ssyncadd.s32 $0xFFFFD800  }
0x25: {  	s21 =	simm.s32 $0x500;
	[bflag:$0x0] =	sbarrier.arrive $0xFFFF  }
0x26: {  	[spmem:s2] =	stream.indirect.scatter.add.f32 [tilespmem:s16], [sflag:$0x1], $0x1, s21, s19, $0xb8;
	[tilespmem:$0x5580] =	vst v63  }
0x27: {  	_ =	swait.ge [sflag:s14], $0x7D  }
0x28: {  	[sflag:s14] =	ssyncset.done $0x0  }
0x29: {  	s31 =	simm.s32 $0x2D00;
	[sflag:s14] =	ssyncadd.s32 $0xFFFFFF83  }
0x2a: {  	[spmem:s3] =	stream.indirect.scatter.add.f32 [tilespmem:s16], [sflag:$0x1], $0x1, s31, s19, $0xb8;
	[tilespmem:$0x5580] =	vst v63  }
0x2b: {  	_ =	swait.ge [sflag:s14], $0x7D  }
0x2c: {  	s22 =	simm.s32 $0x400;
	s21 =	simm.s32 $0x80;
	[sflag:s14] =	ssyncset.done $0x0  }
.LBB2_2:
0x2d: {  	s23 =	sadd.s32 $0x500, s21  }
0x2e: {  	[sflag:s14] =	ssyncadd.s32 $0xFFFFFF83;
	s24 =	smov.u32 s22;
	s25 =	sadd.s32 $0x200, s22  }
0x2f: {  	[spmem:s2] =	stream.indirect.scatter.add.f32 [tilespmem:s16], [sflag:$0x1], $0x1, s23, s19, $0xb8;
	[tilespmem:$0x5580] =	vst v63  }
0x30: {  	p0 =	sne.s32 s22, $0x9E00;
	_ =	swait.ge [sflag:s14], $0x7D  }
.Ltmp0:
0x31: {  	[sflag:s14] =	ssyncset.done $0x0;
	(pc) =	sbr.rel @p0 .LBB2_2-.Ltmp0, $4  }
0x32: {  	s21 =	sadd.s32 $0x2D00, s21;
	[sflag:s14] =	ssyncadd.s32 $0xFFFFFF83  }
0x33: {  	[spmem:s3] =	stream.indirect.scatter.add.f32 [tilespmem:s16], [sflag:$0x1], $0x1, s21, s19, $0xb8;
	[tilespmem:$0x5580] =	vst v63  }
0x34: {  	_ =	swait.ge [sflag:s14], $0x7D  }
0x35: {  	s22 =	smov.u32 s25;
	s21 =	sshra.s32 s24, $0x2;
	[sflag:s14] =	ssyncset.done $0x0  }
0x36: {  	s22 =	sadd.s32 $0x500, s21;
	[sflag:s14] =	ssyncadd.s32 $0xFFFFFF83  }
0x37: {  	[spmem:s2] =	stream.indirect.scatter.add.f32 [tilespmem:s16], [sflag:$0x1], $0x1, s22, s19, $0xb8;
	[tilespmem:$0x5580] =	vst v63  }
0x38: {  	_ =	swait.ge [sflag:s14], $0x7D  }
0x39: {  	[sflag:s14] =	ssyncset.done $0x0  }
0x3a: {  	s31 =	sadd.s32 $0x2D00, s21;
	[sflag:s14] =	ssyncadd.s32 $0xFFFFFF83  }
0x3b: {  	[spmem:s3] =	stream.indirect.scatter.add.f32 [tilespmem:s16], [sflag:$0x1], $0x1, s31, s19, $0xb8;
	[tilespmem:$0x5580] =	vst v63  }
0x3c: {  	_ =	swait.ge [sflag:s14], $0x7D  }
0x3d: {  	[sflag:s14] =	ssyncset.done $0x0  }
0x3e: {  	[sflag:s14] =	ssyncadd.s32 $0xFFFFFF83  }
0x3f: {  	[bflag:$0x0] =	sbarrier.arrive $0xFFFF  }
0x40: {  	[hbm:s10], [sflag:s7] =	dma.local [spmem:s13], $0x50  }
0x41: {  	s20 =	sadd.s32 $0x1, s20;
	_ =	swait.ge [sflag:s14], $0x50  }
0x42: {  	p0 =	sne.s32 s20, s12;
	[sflag:s14] =	ssyncset.done $0x0  }
.Ltmp1:
0x43: {  	[sflag:s14] =	ssyncadd.s32 $0xFFFFFFB0;
	(pc) =	sbr.rel @p0 .LBB2_1-.Ltmp1, $4  }
0x44: {  	[hbm:s11], [sflag:s7] =	dma.local [spmem:s15], $0x50  }
0x45: {  	_ =	swait.ge [sflag:s14], $0x50  }
0x46: {  	[sflag:s14] =	ssyncset.done $0x0  }
0x47: {  	[sflag:s14] =	ssyncadd.s32 $0xFFFFFFB0  }
0x48: {  	_ =	sfence.sel $0x180000  }
0x49: {  	[bflag:$0x0] =	sbarrier.arrive $0xFFFF  }
0x4a: {  	p0 =	sne.s32 s0, $0x0;
	_ =	strace $0x90000047  }
0x4b: {  	s0 =	sadd.s32 @!p0 $0x100000, s1;
	[bflag:$0x2] =	sbarrier.arrive $0xFFFF  }
0x4c: {  	[sflag:s0] =	ssyncadd.tile.s32 @!p0 $0x1;
	_ =	shalt  }
.Lfunc_end2:
_tile_overlayer_lowered:
.L_overlay_start_2:
0x4d: {  	(tag) =	ssettag $0x2  }
0x4e: {  	s0 =	rddreg [dreg:$0x0];
	s2 =	stileid.u32  }
0x4f: {  	s1 =	rddreg [dreg:$0x1];
	p0 =	sne.s32 s2, $0x0  }
0x50: {  	s3 =	rddreg [dreg:$0x2];
	[bflag:$0x3] =	sbarrier.arrive $0xFFFF;
	s2 =	simm.s32 @!p0 $0x1C01  }
0x51: {  	[timem:s3], [sflag:s2] =	dma.local @!p0 [hbm:s0], s1  }
0x52: {  	s0 =	simm.s32 @!p0 $0x1  }
0x53: {  	_ =	swait.ge @!p0 [sflag:s0], s1  }
0x54: {  	s1 =	ssub.s32 @!p0 $0x0, s1;
	[sflag:s0] =	ssyncset.done @!p0 $0x0  }
0x55: {  	[sflag:s0] =	ssyncadd.s32 @!p0 s1  }
0x56: {  	[bflag:$0x3] =	sbarrier.arrive $0xFFFF  }
0x57: {  	_ =	shalt  }

// kernel: kernel.9.cloned.1.call-start
scs
__scs_entry_jumppad:
0x0: {  	(pc) =	sbr.rel $0x88, $3  }
0x1: {  	(tag) =	ssettag $0x0;
	lr =	simm.s32 $0x1  }
0x2: {  	[smem:$0x3F9F] =	sst lr;
	_ =	strace $0xD0000000  }
0x3: {  	_ = 	snop  }
0x4: {  	_ = 	snop  }
0x5: {  	_ = 	snop  }
0x6: {  	_ = 	snop  }
0x7: {  	_ = 	snop  }
__scs_overlays_trampoline_lowered:
0x8: {  	[smem:$0x3FAE] =	sst s0  }
0x9: {  	[smem:$0x3FAF] =	sst s1  }
0xa: {  	[smem:$0x3FB0] =	sst s2  }
0xb: {  	[smem:$0x3FB1] =	sst s3  }
0xc: {  	[smem:$0x3FB2] =	sst s4  }
0xd: {  	[smem:$0x3FB3] =	sst s5  }
0xe: {  	[smem:$0x3FB4] =	sst s6  }
0xf: {  	[smem:$0x3FB5] =	sst s7  }
0x10: {  	[smem:$0x3FB6] =	sst s8  }
0x11: {  	[smem:$0x3FB7] =	sst s9;
	s0 =	simm.s32 @!p0 $0x0  }
0x12: {  	s1 =	sld [smem:$0x3F9D];
	s0 =	simm.s32 @p0 $0x1  }
0x13: {  	[smem:$0x3FB8] =	sst s0;
	s0 =	simm.s32 @!p1 $0x0  }
0x14: {  	s2 =	sld [smem:$0x3F9C];
	s0 =	simm.s32 @p1 $0x1  }
0x15: {  	[smem:$0x3FB9] =	sst s0;
	s0 =	simm.s32 @!p2 $0x0  }
0x16: {  	s3 =	sld [smem:$0x3FDB];
	s0 =	simm.s32 @p2 $0x1  }
0x17: {  	s4 =	simm.s32 $0x1BF5;
	[smem:$0x3FBB] =	sst s0  }
0x18: {  	s0 =	sld [smem:$0x3F9E];
	_ =	swait.ge [sflag:s4], $0x0  }
0x19: {  	s7 =	sld [smem:$0x3F9F]  }
0x1a: {  	s8 =	sadd.s32 $0xFFFFE003, lr  }
0x1b: {  	s9 =	sadd.s32 $0xFFFFFEF7, lr;
	s5 =	simm.s32 $0xFFFFFFFF;
	p2 =	slt.u32 s8, $0xFFFFF086  }
0x1c: {  	p1 =	slt.u32 s9, $0xF7A;
	s5 =	simm.s32 @!p2 $0x0  }
0x1d: {  	s5 =	simm.s32 @p1 $0x1;
	p0 =	seq.s32 s7, s2  }
0x1e: {  	s7 =	smul.u32 @!p0 $0xF7A, s2;
	p2 =	seq.s32 @!p0 s5, $0x0  }
0x1f: {  	s9 =	smul.u32 $0xF7A, s1;
	s8 =	simm.s32 @!p0 $0x1BF5;
	p2 =	por !p2, p0  }
0x20: {  	[sflag:s8] =	ssyncset.s32 @!p0 $0xFFFFF086;
	s6 =	sadd.s32 @!p0 s3, s7;
	s7 =	simm.s32 @!p0 $0x108  }
0x21: {  	s3 =	sadd.s32 s3, s9;
	s6 =	sadd.s32 @!p0 $0x88, s6;
	s7 =	simm.s32 @p2 $0x1082  }
0x22: {  	[simem:s7], [sflag:s8] =	dma.local @!p0 [hbm:s6], $0xF7A  }
0x23: {  	s9 =	sor.u32 $0xD0000000, s2;
	s6 =	simm.s32 $0x108;
	_ =	swait.ge @!p0 [sflag:s8], $0x0  }
0x24: {  	s3 =	sadd.s32 $0x88, s3;
	s6 =	simm.s32 @!p1 $0x1082;
	[sflag:s4] =	ssyncset.s32 $0xFFFFF086  }
0x25: {  	[simem:s6], [sflag:s4] =	dma.local [hbm:s3], $0xF7A  }
0x26: {  	[smem:$0x3F9F] =	sst s1;
	(tag) =	ssettag s2;
	_ =	strace s9  }
0x27: {  	s1 =	sld [smem:$0x3FAF]  }
0x28: {  	s2 =	sld [smem:$0x3FB0]  }
0x29: {  	s4 =	sld [smem:$0x3FB2]  }
0x2a: {  	p0 =	seq.s32 s5, $0x0;
	s5 =	sld [smem:$0x3FB3]  }
0x2b: {  	s6 =	sld [smem:$0x3FB4]  }
0x2c: {  	s7 =	sld [smem:$0x3FB5]  }
0x2d: {  	s3 =	simm.s32 $0x108;
	s8 =	sld [smem:$0x3FB6]  }
0x2e: {  	s3 =	simm.s32 @!p0 $0x1082;
	s9 =	sld [smem:$0x3FB7]  }
0x2f: {  	lr =	sadd.s32 s0, s3;
	s0 =	sld [smem:$0x3FAE]  }
0x30: {  	s3 =	sld [smem:$0x3FB1]  }
0x31: {  	[smem:$0x3FBA] =	sst s10  }
0x32: {  	s10 =	sld [smem:$0x3FB8];
	_ =	sdelay $0x3  }
0x33: {  	p0 =	seq.s32 s10, $0x1;
	s10 =	sld [smem:$0x3FBA];
	_ =	sdelay $0x3  }
0x34: {  	[smem:$0x3FBA] =	sst s10  }
0x35: {  	s10 =	sld [smem:$0x3FB9];
	_ =	sdelay $0x3  }
0x36: {  	p1 =	seq.s32 s10, $0x1;
	s10 =	sld [smem:$0x3FBA];
	_ =	sdelay $0x3  }
0x37: {  	[smem:$0x3FBA] =	sst s10  }
0x38: {  	s10 =	sld [smem:$0x3FBB]  }
0x39: {  	_ = 	snop;
	(pc) =	sbr.ind lr, $3  }
0x3a: {  	_ = 	snop  }
0x3b: {  	_ = 	snop  }
0x3c: {  	p2 =	seq.s32 s10, $0x1;
	s10 =	sld [smem:$0x3FBA]  }
0x3d: {  	_ =	shalt  }
0x3e: {  	_ =	shalt  }
0x3f: {  	_ =	shalt  }
0x40: {  	_ =	shalt  }
0x41: {  	_ =	shalt  }
0x42: {  	_ =	shalt  }
0x43: {  	_ =	shalt  }
0x44: {  	_ =	shalt  }
0x45: {  	_ =	shalt  }
0x46: {  	_ =	shalt  }
0x47: {  	_ =	shalt  }
0x48: {  	_ =	shalt  }
0x49: {  	_ =	shalt  }
0x4a: {  	_ =	shalt  }
0x4b: {  	_ =	shalt  }
0x4c: {  	_ =	shalt  }
0x4d: {  	_ =	shalt  }
0x4e: {  	_ =	shalt  }
0x4f: {  	_ =	shalt  }
0x50: {  	_ =	shalt  }
0x51: {  	_ =	shalt  }
0x52: {  	_ =	shalt  }
0x53: {  	_ =	shalt  }
0x54: {  	_ =	shalt  }
0x55: {  	_ =	shalt  }
0x56: {  	_ =	shalt  }
0x57: {  	_ =	shalt  }
0x58: {  	_ =	shalt  }
0x59: {  	_ =	shalt  }
0x5a: {  	_ =	shalt  }
0x5b: {  	_ =	shalt  }
0x5c: {  	_ =	shalt  }
0x5d: {  	_ =	shalt  }
0x5e: {  	_ =	shalt  }
0x5f: {  	_ =	shalt  }
0x60: {  	_ =	shalt  }
0x61: {  	_ =	shalt  }
0x62: {  	_ =	shalt  }
0x63: {  	_ =	shalt  }
0x64: {  	_ =	shalt  }
0x65: {  	_ =	shalt  }
0x66: {  	_ =	shalt  }
0x67: {  	_ =	shalt  }
0x68: {  	_ =	shalt  }
0x69: {  	_ =	shalt  }
0x6a: {  	_ =	shalt  }
0x6b: {  	_ =	shalt  }
0x6c: {  	_ =	shalt  }
0x6d: {  	_ =	shalt  }
0x6e: {  	_ =	shalt  }
0x6f: {  	_ =	shalt  }
0x70: {  	_ =	shalt  }
0x71: {  	_ =	shalt  }
0x72: {  	_ =	shalt  }
0x73: {  	_ =	shalt  }
0x74: {  	_ =	shalt  }
0x75: {  	_ =	shalt  }
0x76: {  	_ =	shalt  }
0x77: {  	_ =	shalt  }
0x78: {  	_ =	shalt  }
0x79: {  	_ =	shalt  }
0x7a: {  	_ =	shalt  }
0x7b: {  	_ =	shalt  }
0x7c: {  	_ =	shalt  }
0x7d: {  	_ =	shalt  }
0x7e: {  	_ =	shalt  }
0x7f: {  	_ =	shalt  }
0x80: {  	_ =	shalt  }
0x81: {  	_ =	shalt  }
0x82: {  	_ =	shalt  }
0x83: {  	_ =	shalt  }
0x84: {  	_ =	shalt  }
0x85: {  	_ =	shalt  }
0x86: {  	_ =	shalt  }
0x87: {  	_ =	shalt  }
.Lfunc_end0:
.L_simem_size_0:
called_computation.1_lowered:
.L_overlay_start_0:
0x88: {  	s2 =	sld [smem:$0x3FD9]  }
0x89: {  	s3 =	sld [smem:$0x3FFE];
	_ =	sdelay $0x1  }
0x8a: {  	s1 =	srdreg.scid  }
0x8b: {  	s0 =	sand.u32 $0x1, s1  }
0x8c: {  	s17 =	sshll.u32 s0, $0xA;
	s2 =	sadd.s32 s3, s2  }
0x8d: {  	s2 =	sadd.s32 s2, s17  }
0x8e: {  	[smem:$0x3FC6] =	sst s2  }
0x8f: {  	_ = 	snop  }
0x90: {  	s2 =	sld [smem:$0x3FD0];
	(tm) =	ssettm $0x1  }
0x91: {  	s18 =	sld [smem:$0x3FFB];
	_ =	sdelay $0x3  }
0x92: {  	_ =	strace s18  }
0x93: {  	s3 =	sld [smem:$0x3FFC];
	_ =	sdelay $0x3  }
0x94: {  	_ =	strace s3  }
0x95: {  	s3 =	sld [smem:$0x3FFD];
	_ =	sdelay $0x3  }
0x96: {  	_ =	strace s3  }
0x97: {  	_ =	strace $0x8FFFFFFF  }
0x98: {  	s19 =	sld [smem:$0x3FDB];
	_ =	sdelay $0x1  }
0x99: {  	s4 =	simm.s32 $_scs_section_size  }
0x9a: {  	s5 =	simm.s32 $_size__tile_overlayer_lowered;
	s6 =	simm.s32 $_tile_overlayer_lowered  }
0x9b: {  	s22 =	simm.s32 $0x1BFF;
	s21 =	sshll.u32 s6, $0x1;
	s3 =	sadd.s32 s4, s19  }
0x9c: {  	s7 =	simm.s32 $0x0;
	s20 =	sshll.u32 s5, $0x1;
	s5 =	sadd.s32 s21, s3  }
0x9d: {  	[timem:s7], [sflag:s22] =	dma.local [hbm:s5], s20  }
0x9e: {  	_ =	swait.ge [sflag:s22], s20  }
0x9f: {  	s4 =	ssub.s32 $0x0, s20;
	[sflag:s22] =	ssyncset.done $0x0  }
0xa0: {  	[sflag:s22] =	ssyncadd.s32 s4;
	_ =	sdelay $0x1  }
0xa1: {  	s23 =	simm.s32 $0x1B8B  }
0xa2: {  	_ =	swait.ge [sflag:s23], $0x1  }
0xa3: {  	[sflag:s23] =	ssyncset.done $0x0  }
0xa4: {  	s25 =	simm.s32 $0x1B8E;
	s24 =	sld [smem:$0x3FFE];
	[sflag:s23] =	ssyncadd.s32 $0xFFFFFFFF  }
0xa5: {  	s26 =	simm.s32 $execute0_lowered;
	[smem:$0x3FD2] =	sst s25  }
0xa6: {  	s5 =	sshll.u32 s26, $0x1;
	_ =	strace $0x80000049;
	[dreg:$0x1] =	wrdreg $0xFFFFFFFF  }
0xa7: {  	s28 =	simm.s32 $_size_execute0_lowered;
	s3 =	sadd.s32 s3, s5;
	[dreg:$0x0] =	wrdreg $0x0  }
0xa8: {  	s5 =	sshll.u32 s28, $0x1;
	[dreg:$0x2] =	wrdreg s3  }
0xa9: {  	[dreg:$0x3] =	wrdreg s5  }
0xaa: {  	[dreg:$0x4] =	wrdreg $0xC0  }
0xab: {  	_ =	task [dreg:s7], $0x5FFFF  }
0xac: {  	[dreg:$0x1] =	wrdreg $0xFFFFFFFF  }
0xad: {  	[dreg:$0x0] =	wrdreg $0x60  }
0xae: {  	[dreg:$0x2] =	wrdreg s2  }
0xaf: {  	[dreg:$0x3] =	wrdreg s24  }
0xb0: {  	[dreg:$0x4] =	wrdreg $0x0  }
0xb1: {  	[dreg:$0x5] =	wrdreg $0x9  }
0xb2: {  	_ =	task.clear_ibuf [dreg:s7], $0x6FFFF;
	_ =	strace $0x90000049  }
0xb3: {  	s29 =	simm.s32 $0x9;
	_ =	strace $0x8000004B  }
0xb4: {  	_ =	swait.ge [sflag:s29], $0x1  }
0xb5: {  	[sflag:s29] =	ssyncadd.s32 $0xFFFFFFFF  }
0xb6: {  	_ =	strace $0x9000004B  }
0xb7: {  	_ =	sfence  }
0xb8: {  	s30 =	sld [smem:$0x0];
	_ =	sdelay $0x2  }
0xb9: {  	s31 =	sshll.u32 s1, $0xD;
	s1 =	sshrl.u32 s1, $0x2  }
0xba: {  	s3 =	sand.u32 $0x4000, s31;
	s1 =	sadd.s32 s1, s30  }
0xbb: {  	s0 =	sor.u32 s3, s0;
	s1 =	sshll.u32 s1, $0x11  }
0xbc: {  	s0 =	sor.u32 s1, s0  }
0xbd: {  	s0 =	sadd.s32 $0x8F2B, s0  }
0xbe: {  	[sflag:s0] =	ssyncadd.remote.s32 $0x1  }
0xbf: {  	_ =	sfence.sel $0xFFFF  }
0xc0: {  	[dreg:$0x0] =	wrdreg $0xFFFFFFFF;
	(pc) =	sbr.abs _section_cstart, $3  }
0xc1: {  	[dreg:$0x1] =	wrdreg $0xFFFFFFFF  }
0xc2: {  	_ =	task.clear_ibuf [dreg:s7], $0x2FFFF;
	_ =	strace $0x9FFFFFFF  }
0xc3: {  	(tm) =	ssettm $0x7FFFFFFF  }
tec
execute0_lowered:
.L_overlay_start_1:
0x0: {  	(tag) =	ssettag $0x1  }
0x1: {  	s1 =	rddreg [dreg:$0x0]  }
0x2: {  	s6 =	rddreg [dreg:$0x1]  }
0x3: {  	s3 =	rddreg [dreg:$0x2];
	s2 =	srdreg.scid  }
0x4: {  	s0 =	rddreg [dreg:$0x3];
	s4 =	simm.s32 $0x0;
	s14 =	simm.s32 $0x16800  }
0x5: {  	s15 =	simm.s32 $0x7D;
	s16 =	simm.s32 $0x19000;
	s7 =	sand.u32 $0x1, s2  }
0x6: {  	s17 =	simm.s32 $0x1;
	s2 =	stileid.u32;
	s8 =	smul.u32 $0x140000, s7  }
0x7: {  	s18 =	simm.s32 $0x0;
	[smem:$0x7FF] =	sst s4;
	s9 =	smul.u32 $0x14000, s2  }
0x8: {  	s5 =	sshll.u32 s7, $0x4;
	_ =	strace $0x8000004A;
	s10 =	smul.u32 $0x50000, s2  }
0x9: {  	s29 =	ssub.s32 $0x2, s7;
	s31 =	sshll.u32 s2, $0x6;
	s5 =	sor.u32 s2, s5  }
0xa: {  	s7 =	sshrl.u32 s29, $0x1;
	s5 =	smul.u32 $0x500, s5;
	s8 =	sadd.s32 s9, s8  }
0xb: {  	s30 =	sshrl.u32 s10, $0x2;
	s12 =	ssub.s32 s29, s7;
	s8 =	sshrl.u32 s8, $0x3  }
0xc: {  	s13 =	sadd.s32 s30, s3;
	s10 =	smax.u32 s12, $0x1;
	s12 =	simm.s32 $0x2  }
0xd: {  	s28 =	sadd.s32 s5, s6;
	s5 =	sadd.s32 $0x16200, s6;
	s11 =	sadd.s32 s8, s6  }
0xe: {  	s6 =	sor.u32 $0x1C02, s31;
	s7 =	sadd.s32 $0xB400, s28;
	s8 =	sadd.s32 $0x1400, s28  }
0xf: {  	s9 =	sadd.s32 $0x18A00, s11;
	s11 =	sshrl.u32 s13, $0x3;
	s13 =	simm.s32 $0x14000  }
.LBB2_1:
0x10: {  	[spmem:s11], [sflag:s6] =	dma.local [hbm:s5], $0x2800  }
0x11: {  	_ =	swait.ge [sflag:s12], $0x2800  }
0x12: {  	[sflag:s12] =	ssyncset.done $0x0  }
0x13: {  	[sflag:s12] =	ssyncadd.s32 $0xFFFFD800  }
0x14: {  	[tilespmem:s13], [sflag:$0x2] =	stream.linear.gather [hbm4b:s7+s4], $0x2800, $0x38;
	[tilespmem:$0x1D000] =	vst v63  }
0x15: {  	_ =	swait.ge [sflag:s12], $0x2800  }
0x16: {  	[sflag:s12] =	ssyncset.done $0x0  }
0x17: {  	[sflag:s12] =	ssyncadd.s32 $0xFFFFD800  }
0x18: {  	[tilespmem:s14], [sflag:$0x2] =	stream.linear.gather [hbm4b:s8+s4], $0x2800, $0x38;
	[tilespmem:$0x1D000] =	vst v63  }
0x19: {  	_ =	swait.ge [sflag:s12], $0x2800  }
0x1a: {  	[sflag:s12] =	ssyncset.done $0x0  }
0x1b: {  	[sflag:s12] =	ssyncadd.s32 $0xFFFFD800  }
0x1c: {  	s19 =	simm.s32 $0x14000;
	[bflag:$0x0] =	sbarrier.arrive $0xFFFF  }
0x1d: {  	[tilespmem:s16], [sflag:$0x1] =	stream.indirect.gather [hbm4b:s1+s15], $0x80, s19, s15, $0xb8;
	[tilespmem:$0x1D000] =	vst v63  }
0x1e: {  	_ =	swait.ge [sflag:s17], $0x3E80  }
0x1f: {  	[sflag:s17] =	ssyncset.done $0x0  }
0x20: {  	s31 =	simm.s32 $0x16800;
	[sflag:s17] =	ssyncadd.s32 $0xFFFFC180  }
0x21: {  	[spmem:s3] =	stream.indirect.scatter.add.f32 [tilespmem:s16], [sflag:$0x2], $0x80, s31, s15, $0xb8;
	[tilespmem:$0x1D000] =	vst v63  }
0x22: {  	_ =	swait.ge [sflag:s12], $0x3E80  }
0x23: {  	s20 =	simm.s32 $0x400;
	s19 =	simm.s32 $0x80;
	[sflag:s12] =	ssyncset.done $0x0  }
.LBB2_2:
0x24: {  	s21 =	sadd.s32 $0x14000, s19  }
0x25: {  	[sflag:s12] =	ssyncadd.s32 $0xFFFFC180;
	s22 =	smov.u32 s20;
	s23 =	sadd.s32 $0x200, s20  }
0x26: {  	[tilespmem:s16], [sflag:$0x1] =	stream.indirect.gather [hbm4b:s1+s15], $0x80, s21, s15, $0xb8;
	[tilespmem:$0x1D000] =	vst v63  }
0x27: {  	p0 =	sne.s32 s20, $0x9E00;
	_ =	swait.ge [sflag:s17], $0x3E80  }
.Ltmp0:
0x28: {  	[sflag:s17] =	ssyncset.done $0x0;
	(pc) =	sbr.rel @p0 .LBB2_2-.Ltmp0, $4  }
0x29: {  	s19 =	sadd.s32 $0x16800, s19;
	[sflag:s17] =	ssyncadd.s32 $0xFFFFC180  }
0x2a: {  	[spmem:s3] =	stream.indirect.scatter.add.f32 [tilespmem:s16], [sflag:$0x2], $0x80, s19, s15, $0xb8;
	[tilespmem:$0x1D000] =	vst v63  }
0x2b: {  	_ =	swait.ge [sflag:s12], $0x3E80  }
0x2c: {  	s20 =	smov.u32 s23;
	s19 =	sshra.s32 s22, $0x2;
	[sflag:s12] =	ssyncset.done $0x0  }
0x2d: {  	s20 =	sadd.s32 $0x14000, s19;
	[sflag:s12] =	ssyncadd.s32 $0xFFFFC180  }
0x2e: {  	[tilespmem:s16], [sflag:$0x1] =	stream.indirect.gather [hbm4b:s1+s15], $0x80, s20, s15, $0xb8;
	[tilespmem:$0x1D000] =	vst v63  }
0x2f: {  	_ =	swait.ge [sflag:s17], $0x3E80  }
0x30: {  	[sflag:s17] =	ssyncset.done $0x0  }
0x31: {  	s31 =	sadd.s32 $0x16800, s19;
	[sflag:s17] =	ssyncadd.s32 $0xFFFFC180  }
0x32: {  	[spmem:s3] =	stream.indirect.scatter.add.f32 [tilespmem:s16], [sflag:$0x2], $0x80, s31, s15, $0xb8;
	[tilespmem:$0x1D000] =	vst v63  }
0x33: {  	_ =	swait.ge [sflag:s12], $0x3E80  }
0x34: {  	s18 =	sadd.s32 $0x1, s18;
	[sflag:s12] =	ssyncset.done $0x0  }
0x35: {  	p0 =	sne.s32 s18, s10;
	[sflag:s12] =	ssyncadd.s32 $0xFFFFC180  }
.Ltmp1:
0x36: {  	[bflag:$0x0] =	sbarrier.arrive $0xFFFF;
	(pc) =	sbr.rel @p0 .LBB2_1-.Ltmp1, $4  }
0x37: {  	[hbm:s9], [sflag:s6] =	dma.local [spmem:s11], $0x2800  }
0x38: {  	_ =	swait.ge [sflag:s12], $0x2800  }
0x39: {  	[sflag:s12] =	ssyncset.done $0x0  }
0x3a: {  	[sflag:s12] =	ssyncadd.s32 $0xFFFFD800  }
0x3b: {  	_ =	sfence.sel $0x180000  }
0x3c: {  	[bflag:$0x0] =	sbarrier.arrive $0xFFFF  }
0x3d: {  	p0 =	sne.s32 s2, $0x0;
	_ =	strace $0x9000004A  }
0x3e: {  	s0 =	sadd.s32 @!p0 $0x100000, s0;
	[bflag:$0x2] =	sbarrier.arrive $0xFFFF  }
0x3f: {  	[sflag:s0] =	ssyncadd.tile.s32 @!p0 $0x1;
	_ =	shalt  }
.Lfunc_end2:
_tile_overlayer_lowered:
.L_overlay_start_2:
0x40: {  	(tag) =	ssettag $0x2  }
0x41: {  	s0 =	rddreg [dreg:$0x0];
	s2 =	stileid.u32  }
0x42: {  	s1 =	rddreg [dreg:$0x1];
	p0 =	sne.s32 s2, $0x0  }
0x43: {  	s3 =	rddreg [dreg:$0x2];
	[bflag:$0x3] =	sbarrier.arrive $0xFFFF;
	s2 =	simm.s32 @!p0 $0x1C02  }
0x44: {  	[timem:s3], [sflag:s2] =	dma.local @!p0 [hbm:s0], s1  }
0x45: {  	s0 =	simm.s32 @!p0 $0x2  }
0x46: {  	_ =	swait.ge @!p0 [sflag:s0], s1  }
0x47: {  	s1 =	ssub.s32 @!p0 $0x0, s1;
	[sflag:s0] =	ssyncset.done @!p0 $0x0  }
0x48: {  	[sflag:s0] =	ssyncadd.s32 @!p0 s1  }
0x49: {  	[bflag:$0x3] =	sbarrier.arrive $0xFFFF  }
0x4a: {  	_ =	shalt  }

</sc_bundles>
